<compile_context>
chip_gen: v7x
topology: tpu7x:2x2x1
jax: 0.10.2.dev20260603
libtpu: 0.0.44.dev20260713+nightly
codegen_flags: <defaults>
</compile_context>

<pallas_src>
import functools

import numpy as np
import jax
import jax.numpy as jnp
from jax import lax
from jax.experimental import pallas as pl
from jax.experimental.pallas import tpu as pltpu
from jax.experimental.pallas import tpu_sc as plsc

_NB = 4
_NPOINTS = 16
_CLIP = 20.0


def _perm_tables():
    a = np.zeros([_NPOINTS, _NB], dtype=np.int32)
    for i in range(_NPOINTS):
        a[i, :] = np.array(list(np.binary_repr(i, _NB)), dtype=np.int32)
    c0 = np.zeros([_NPOINTS // 2, _NB], np.int32)
    c1 = np.zeros([_NPOINTS // 2, _NB], np.int32)
    for i in range(_NB):
        c0[:, i] = np.where(a[:, i] == 0)[0]
        c1[:, i] = np.where(a[:, i] == 1)[0]
    return c0.reshape(-1), c1.reshape(-1)


_G0, _G1 = _perm_tables()
_NSHADOW = 4


@functools.cache
def _build_sc_kernel(B, K, S):
    info = plsc.get_sparse_core_info()
    NC, NS = info.num_cores, info.num_subcores
    NW = NC * NS
    L = 16
    assert B % (NW * L) == 0
    rows_w = B // NW
    groups = rows_w // L
    KS = K * S
    OUT_W = (_NPOINTS // 2) * _NB

    mesh = plsc.VectorSubcoreMesh(core_axis_name="c", subcore_axis_name="s")

    @functools.partial(
        pl.kernel,
        out_type=jax.ShapeDtypeStruct((B * OUT_W // 128, 128), jnp.float32),
        mesh=mesh,
        compiler_params=pltpu.CompilerParams(
            needs_layout_passes=False, use_tc_tiling_on_sc=True),
        scratch_types=[
            pltpu.VMEM((L * K, S), jnp.int32),
            pltpu.VMEM((rows_w * K // 128, 128), jnp.float32),
            pltpu.VMEM((rows_w * OUT_W // 128, 128), jnp.float32),
        ],
    )
    def sc_kernel(pi_hbm, d_hbm, out_hbm, pi_v, d_v, out_v):
        wid = lax.axis_index("s") * NC + lax.axis_index("c")
        pi_f = pi_hbm.reshape(B * K, S)
        d_f, out_f = d_hbm, out_hbm
        n_d = rows_w * K // 128
        n_o = rows_w * OUT_W // 128
        pltpu.sync_copy(d_f.at[pl.ds(wid * n_d, n_d)], d_v)

        iota = lax.iota(jnp.int32, L)
        zero = iota * 0
        one = zero + 1
        i_k = iota * K
        i_ow = iota * OUT_W
        svecs = [zero + s for s in range(S)]
        ninf = (zero + np.int32(~np.float32(np.inf).view(np.int32))
                ).astype(jnp.uint32)

        def group_body(g, carry):
            pltpu.sync_copy(
                pi_f.at[pl.ds((wid * rows_w + g * L) * K, L * K)], pi_v)

            def k_body(k, maccs):
                prow = i_k + k
                bits = None
                for s in range(S):
                    pival = plsc.load_gather(pi_v, [prow, svecs[s]])
                    bit = jnp.left_shift(one, pival)
                    bits = bit if bits is None else (bits | bit)
                fd = i_k + (g * (L * K) + k)
                dval = plsc.load_gather(d_v, [fd >> 7, fd & 127]) * 0.5
                nd = ~plsc.bitcast(dval, jnp.int32)
                new = []
                sh = bits << (31 - _NPOINTS + 1)
                for v in range(_NPOINTS - 1, -1, -1):
                    cand = nd & (sh >> 31)
                    new.append(jnp.maximum(maccs[_NPOINTS - 1 - v],
                                           cand.astype(jnp.uint32)))
                    if v:
                        sh = sh << 1
                return tuple(new)

            maccs = lax.fori_loop(0, K, k_body, (ninf,) * _NPOINTS,
                                  unroll=4)
            ms = [plsc.bitcast(~maccs[_NPOINTS - 1 - v].astype(jnp.int32),
                               jnp.float32)
                  for v in range(_NPOINTS)]

            for t in range(OUT_W):
                llr = jnp.clip(ms[_G0[t]] - ms[_G1[t]], -_CLIP, _CLIP)
                fo = i_ow + (g * (L * OUT_W) + t)
                plsc.store_scatter(out_v, [fo >> 7, fo & 127], llr)
            return carry

        lax.fori_loop(0, groups, group_body, 0)
        pltpu.sync_copy(out_v, out_f.at[pl.ds(wid * n_o, n_o)])

    return sc_kernel


def kernel(y, r, dists, path_inds, path_syms):
    B, K = dists.shape
    S = path_inds.shape[2]
    out2d = _build_sc_kernel(B, K, S)(
        path_inds, dists.reshape(B * K // 128, 128))
    return out2d.reshape(B, _NPOINTS // 2, _NB)

# --- scband reference (transcript-rebuilt; emitter-appended) ---
"""Pipeline reference for scband-list2-llrsimple-59931973648657 (READ-ONLY COPY).

The authoritative reference and input builder live on the scoring server;
editing this copy changes nothing except your own understanding.
"""

import jax, jax.numpy as jnp
import numpy as np

NUM_BITS = 4
LLR_CLIP = 20.0


def _make_c0_c1(nb):
    npoints = 2 ** nb
    a = np.zeros([npoints, nb])
    for i in range(npoints):
        a[i, :] = np.array(list(np.binary_repr(i, nb)), dtype=np.int32)
    c0 = np.zeros([npoints // 2, nb])
    c1 = np.zeros([npoints // 2, nb])
    for i in range(nb):
        c0[:, i] = np.where(a[:, i] == 0)[0]
        c1[:, i] = np.where(a[:, i] == 1)[0]
    return c0.astype(np.int32), c1.astype(np.int32)


def setup_inputs(seed: int = 0):
    key = jax.random.key(seed)
    ks = jax.random.split(key, 5)
    B, K, S, M = 8192, 32, 8, 16
    y = jax.random.normal(ks[0], (B, M), dtype=jnp.float32)
    r = jax.random.normal(ks[1], (B, M, M), dtype=jnp.float32)
    dists = jax.random.uniform(ks[2], (B, K), dtype=jnp.float32)
    path_inds = jax.random.randint(ks[3], (B, K, S), 0, 2 ** NUM_BITS, dtype=jnp.int32)
    path_syms = jax.random.normal(ks[4], (B, K, S), dtype=jnp.float32)
    return {"y": y, "r": r, "dists": dists, "path_inds": path_inds, "path_syms": path_syms}


def reference(y, r, dists, path_inds, path_syms):
    c0_np, c1_np = _make_c0_c1(NUM_BITS)
    # expand_to_rank(..., 5, 0): [1, 1, 1, num_points/2, num_bits]
    c0 = jnp.asarray(c0_np).reshape(1, 1, 1, c0_np.shape[0], c0_np.shape[1])
    c1 = jnp.asarray(c1_np).reshape(1, 1, 1, c1_np.shape[0], c1_np.shape[1])
    # real-valued channel representation -> halve distances
    if jnp.issubdtype(y.dtype, jnp.floating):
        dists = dists / 2.0
    # insert_dims(path_inds, 2, axis=-1): [B, K, S, 1, 1]
    pi = path_inds[..., None, None]
    # broadcast compare: [B, K, S, num_points/2, num_bits]; any over dim=-3
    b0 = jnp.any(pi == c0, axis=-3)
    b1 = jnp.any(pi == c1, axis=-3)
    # expand_to_rank(dists, b0.ndim, axis=-1): [B, K, 1, 1]
    d = dists[..., None, None]
    d0 = jnp.where(b0, d, jnp.inf)
    d1 = jnp.where(b1, d, jnp.inf)
    l0 = jnp.min(d0, axis=1)
    l1 = jnp.min(d1, axis=1)
    llr = l0 - l1
    llr = jnp.clip(llr, -LLR_CLIP, LLR_CLIP)
    return llr

if __name__ == "__main__":
    import jax
    _d = setup_inputs()
    print(jax.jit(kernel)(*tuple(_d.values())))

</pallas_src>

<mosaic_0001>
#map = affine_map<(d0, d1) -> (0, 0, 0)>
#map1 = affine_map<(d0, d1) -> (0, 0)>
module attributes {stable_mosaic.version = 14 : i64} {
  func.func @sc_kernel(%arg0: i32, %arg1: i32, %arg2: memref<8192x32x8xi32, #tpu.memory_space<hbm>>, %arg3: memref<2048x128xf32, #tpu.memory_space<hbm>>, %arg4: memref<2048x128xf32, #tpu.memory_space<hbm>>, %arg5: memref<512x8xi32, #tpu.memory_space<vmem>>, %arg6: memref<64x128xf32, #tpu.memory_space<vmem>>, %arg7: memref<64x128xf32, #tpu.memory_space<vmem>>) attributes {dimension_semantics = [#tpu.dimension_semantics<core_parallel>, #tpu.dimension_semantics<subcore_parallel>], iteration_bounds = array<i64: 2, 16>, scalar_prefetch = 0 : i64, scratch_operands = 3 : i64, tpu.core_type = #tpu.core_type<sc_vector_subcore>, window_params = [{transform_indices = #map}, {transform_indices = #map1}, {transform_indices = #map1}]} {
    %mul3A = arith.constant 2 : i32
    %mul3A_0 = arith.muli %arg1, %mul3A : i32
    %add3A = arith.addi %mul3A_0, %arg0 : i32
    %mul3A_1 = arith.constant 64 : i32
    %mul3A_2 = arith.muli %add3A, %mul3A_1 : i32
    "tpu.region"() ({
      %run_scoped3A = tpu.sem_alloc : memref<!tpu.dma_semaphore, #tpu.memory_space<semaphore_mem>>
      %dma_start3A = arith.constant 0 : i32
      %dma_start3A_49 = tpu.memref_slice %arg3[%mul3A_2, %dma_start3A] : memref<2048x128xf32, #tpu.memory_space<hbm>> -> memref<64x128xf32, #tpu.memory_space<hbm>>
      %dma_start3A_50 = arith.constant 0 : i32
      %dma_start3A_51 = tpu.memref_slice %arg3[%mul3A_2, %dma_start3A_50] : memref<2048x128xf32, #tpu.memory_space<hbm>> -> memref<64x128xf32, #tpu.memory_space<hbm>>
      tpu.enqueue_dma source(%dma_start3A_51 : memref<64x128xf32, #tpu.memory_space<hbm>>) target(%arg6 : memref<64x128xf32, #tpu.memory_space<vmem>>) target_semaphore(%run_scoped3A : memref<!tpu.dma_semaphore, #tpu.memory_space<semaphore_mem>>)
      %dma_wait3A = arith.constant 0 : i32
      %dma_wait3A_52 = tpu.memref_slice %arg3[%mul3A_2, %dma_wait3A] : memref<2048x128xf32, #tpu.memory_space<hbm>> -> memref<64x128xf32, #tpu.memory_space<hbm>>
      %dma_wait3A_53 = arith.constant 0 : i32
      %dma_wait3A_54 = tpu.memref_slice %arg3[%mul3A_2, %dma_wait3A_53] : memref<2048x128xf32, #tpu.memory_space<hbm>> -> memref<64x128xf32, #tpu.memory_space<hbm>>
      tpu.wait_dma2 semaphore(%run_scoped3A : memref<!tpu.dma_semaphore, #tpu.memory_space<semaphore_mem>>) src(%dma_wait3A_54 : memref<64x128xf32, #tpu.memory_space<hbm>>) dst(%arg6 : memref<64x128xf32, #tpu.memory_space<vmem>>)
      tpu.yield
    }) : () -> ()
    %iota3A = tpu.iota {dimensions = array<i32: 0>} : vector<16xi32>
    %mul3A_3 = arith.constant 0 : i32
    %mul3A_4 = vector.broadcast %mul3A_3 : i32 to vector<16xi32>
    %mul3A_5 = arith.muli %iota3A, %mul3A_4 : vector<16xi32>
    %add3A_6 = arith.constant 1 : i32
    %add3A_7 = vector.broadcast %add3A_6 : i32 to vector<16xi32>
    %add3A_8 = arith.addi %mul3A_5, %add3A_7 : vector<16xi32>
    %mul3A_9 = arith.constant 32 : i32
    %mul3A_10 = vector.broadcast %mul3A_9 : i32 to vector<16xi32>
    %mul3A_11 = arith.muli %iota3A, %mul3A_10 : vector<16xi32>
    %mul3A_12 = arith.constant 32 : i32
    %mul3A_13 = vector.broadcast %mul3A_12 : i32 to vector<16xi32>
    %mul3A_14 = arith.muli %iota3A, %mul3A_13 : vector<16xi32>
    %add3A_15 = arith.constant 0 : i32
    %add3A_16 = vector.broadcast %add3A_15 : i32 to vector<16xi32>
    %add3A_17 = arith.addi %mul3A_5, %add3A_16 : vector<16xi32>
    %add3A_18 = arith.constant 1 : i32
    %add3A_19 = vector.broadcast %add3A_18 : i32 to vector<16xi32>
    %add3A_20 = arith.addi %mul3A_5, %add3A_19 : vector<16xi32>
    %add3A_21 = arith.constant 2 : i32
    %add3A_22 = vector.broadcast %add3A_21 : i32 to vector<16xi32>
    %add3A_23 = arith.addi %mul3A_5, %add3A_22 : vector<16xi32>
    %add3A_24 = arith.constant 3 : i32
    %add3A_25 = vector.broadcast %add3A_24 : i32 to vector<16xi32>
    %add3A_26 = arith.addi %mul3A_5, %add3A_25 : vector<16xi32>
    %add3A_27 = arith.constant 4 : i32
    %add3A_28 = vector.broadcast %add3A_27 : i32 to vector<16xi32>
    %add3A_29 = arith.addi %mul3A_5, %add3A_28 : vector<16xi32>
    %add3A_30 = arith.constant 5 : i32
    %add3A_31 = vector.broadcast %add3A_30 : i32 to vector<16xi32>
    %add3A_32 = arith.addi %mul3A_5, %add3A_31 : vector<16xi32>
    %add3A_33 = arith.constant 6 : i32
    %add3A_34 = vector.broadcast %add3A_33 : i32 to vector<16xi32>
    %add3A_35 = arith.addi %mul3A_5, %add3A_34 : vector<16xi32>
    %add3A_36 = arith.constant 7 : i32
    %add3A_37 = vector.broadcast %add3A_36 : i32 to vector<16xi32>
    %add3A_38 = arith.addi %mul3A_5, %add3A_37 : vector<16xi32>
    %add3A_39 = arith.constant -2139095041 : i32
    %add3A_40 = vector.broadcast %add3A_39 : i32 to vector<16xi32>
    %add3A_41 = arith.addi %mul3A_5, %add3A_40 : vector<16xi32>
    %scan3A = arith.constant 0 : i32
    %scan3A_42 = arith.constant 0 : i32
    %scan3A_43 = arith.constant 16 : i32
    %scan3A_44 = arith.addi %scan3A_42, %scan3A_43 : i32
    %scan3A_45 = arith.constant 1 : i32
    scf.for %scan3A_49 = %scan3A_42 to %scan3A_44 step %scan3A_45  : i32 {
      %mul3A_50 = arith.constant 256 : i32
      %mul3A_51 = arith.muli %add3A, %mul3A_50 : i32
      %mul3A_52 = arith.constant 16 : i32
      %mul3A_53 = arith.muli %scan3A_49, %mul3A_52 : i32
      %add3A_54 = arith.addi %mul3A_51, %mul3A_53 : i32
      %mul3A_55 = arith.constant 32 : i32
      %mul3A_56 = arith.muli %add3A_54, %mul3A_55 : i32
      "tpu.region"() ({
        %run_scoped3A = tpu.sem_alloc : memref<!tpu.dma_semaphore, #tpu.memory_space<semaphore_mem>>
        %dma_start3A = tpu.memref_reshape %arg2 : memref<8192x32x8xi32, #tpu.memory_space<hbm>> -> memref<262144x8xi32, #tpu.memory_space<hbm>>
        %dma_start3A_711 = arith.constant 0 : i32
        %dma_start3A_712 = tpu.memref_slice %dma_start3A[%mul3A_56, %dma_start3A_711] : memref<262144x8xi32, #tpu.memory_space<hbm>> -> memref<512x8xi32, #tpu.memory_space<hbm>>
        %dma_start3A_713 = tpu.memref_reshape %arg2 : memref<8192x32x8xi32, #tpu.memory_space<hbm>> -> memref<262144x8xi32, #tpu.memory_space<hbm>>
        %dma_start3A_714 = arith.constant 0 : i32
        %dma_start3A_715 = tpu.memref_slice %dma_start3A_713[%mul3A_56, %dma_start3A_714] : memref<262144x8xi32, #tpu.memory_space<hbm>> -> memref<512x8xi32, #tpu.memory_space<hbm>>
        tpu.enqueue_dma source(%dma_start3A_715 : memref<512x8xi32, #tpu.memory_space<hbm>>) target(%arg5 : memref<512x8xi32, #tpu.memory_space<vmem>>) target_semaphore(%run_scoped3A : memref<!tpu.dma_semaphore, #tpu.memory_space<semaphore_mem>>)
        %dma_wait3A = tpu.memref_reshape %arg2 : memref<8192x32x8xi32, #tpu.memory_space<hbm>> -> memref<262144x8xi32, #tpu.memory_space<hbm>>
        %dma_wait3A_716 = arith.constant 0 : i32
        %dma_wait3A_717 = tpu.memref_slice %dma_wait3A[%mul3A_56, %dma_wait3A_716] : memref<262144x8xi32, #tpu.memory_space<hbm>> -> memref<512x8xi32, #tpu.memory_space<hbm>>
        %dma_wait3A_718 = tpu.memref_reshape %arg2 : memref<8192x32x8xi32, #tpu.memory_space<hbm>> -> memref<262144x8xi32, #tpu.memory_space<hbm>>
        %dma_wait3A_719 = arith.constant 0 : i32
        %dma_wait3A_720 = tpu.memref_slice %dma_wait3A_718[%mul3A_56, %dma_wait3A_719] : memref<262144x8xi32, #tpu.memory_space<hbm>> -> memref<512x8xi32, #tpu.memory_space<hbm>>
        tpu.wait_dma2 semaphore(%run_scoped3A : memref<!tpu.dma_semaphore, #tpu.memory_space<semaphore_mem>>) src(%dma_wait3A_720 : memref<512x8xi32, #tpu.memory_space<hbm>>) dst(%arg5 : memref<512x8xi32, #tpu.memory_space<vmem>>)
        tpu.yield
      }) : () -> ()
      %scan3A_57 = arith.constant 0 : i32
      %scan3A_58 = arith.constant 32 : i32
      %scan3A_59 = arith.addi %scan3A_57, %scan3A_58 : i32
      %scan3A_60 = arith.constant 4 : i32
      %scan3A_61:16 = scf.for %scan3A_711 = %scan3A_57 to %scan3A_59 step %scan3A_60 iter_args(%scan3A_712 = %add3A_41, %scan3A_713 = %add3A_41, %scan3A_714 = %add3A_41, %scan3A_715 = %add3A_41, %scan3A_716 = %add3A_41, %scan3A_717 = %add3A_41, %scan3A_718 = %add3A_41, %scan3A_719 = %add3A_41, %scan3A_720 = %add3A_41, %scan3A_721 = %add3A_41, %scan3A_722 = %add3A_41, %scan3A_723 = %add3A_41, %scan3A_724 = %add3A_41, %scan3A_725 = %add3A_41, %scan3A_726 = %add3A_41, %scan3A_727 = %add3A_41) -> (vector<16xi32>, vector<16xi32>, vector<16xi32>, vector<16xi32>, vector<16xi32>, vector<16xi32>, vector<16xi32>, vector<16xi32>, vector<16xi32>, vector<16xi32>, vector<16xi32>, vector<16xi32>, vector<16xi32>, vector<16xi32>, vector<16xi32>, vector<16xi32>)  : i32 {
        %add3A_728 = vector.broadcast %scan3A_711 : i32 to vector<16xi32>
        %add3A_729 = arith.addi %mul3A_11, %add3A_728 : vector<16xi32>
        %gather3A = tpu.vector_load_idx %arg5[%add3A_729, %add3A_17] : memref<512x8xi32, #tpu.memory_space<vmem>>[vector<16xi32>, vector<16xi32>], vector<16xi32>,
        %shift_left3A = arith.shli %add3A_8, %gather3A : vector<16xi32>
        %gather3A_730 = tpu.vector_load_idx %arg5[%add3A_729, %add3A_20] : memref<512x8xi32, #tpu.memory_space<vmem>>[vector<16xi32>, vector<16xi32>], vector<16xi32>,
        %shift_left3A_731 = arith.shli %add3A_8, %gather3A_730 : vector<16xi32>
        %or3A = arith.ori %shift_left3A, %shift_left3A_731 : vector<16xi32>
        %gather3A_732 = tpu.vector_load_idx %arg5[%add3A_729, %add3A_23] : memref<512x8xi32, #tpu.memory_space<vmem>>[vector<16xi32>, vector<16xi32>], vector<16xi32>,
        %shift_left3A_733 = arith.shli %add3A_8, %gather3A_732 : vector<16xi32>
        %or3A_734 = arith.ori %or3A, %shift_left3A_733 : vector<16xi32>
        %gather3A_735 = tpu.vector_load_idx %arg5[%add3A_729, %add3A_26] : memref<512x8xi32, #tpu.memory_space<vmem>>[vector<16xi32>, vector<16xi32>], vector<16xi32>,
        %shift_left3A_736 = arith.shli %add3A_8, %gather3A_735 : vector<16xi32>
        %or3A_737 = arith.ori %or3A_734, %shift_left3A_736 : vector<16xi32>
        %gather3A_738 = tpu.vector_load_idx %arg5[%add3A_729, %add3A_29] : memref<512x8xi32, #tpu.memory_space<vmem>>[vector<16xi32>, vector<16xi32>], vector<16xi32>,
        %shift_left3A_739 = arith.shli %add3A_8, %gather3A_738 : vector<16xi32>
        %or3A_740 = arith.ori %or3A_737, %shift_left3A_739 : vector<16xi32>
        %gather3A_741 = tpu.vector_load_idx %arg5[%add3A_729, %add3A_32] : memref<512x8xi32, #tpu.memory_space<vmem>>[vector<16xi32>, vector<16xi32>], vector<16xi32>,
        %shift_left3A_742 = arith.shli %add3A_8, %gather3A_741 : vector<16xi32>
        %or3A_743 = arith.ori %or3A_740, %shift_left3A_742 : vector<16xi32>
        %gather3A_744 = tpu.vector_load_idx %arg5[%add3A_729, %add3A_35] : memref<512x8xi32, #tpu.memory_space<vmem>>[vector<16xi32>, vector<16xi32>], vector<16xi32>,
        %shift_left3A_745 = arith.shli %add3A_8, %gather3A_744 : vector<16xi32>
        %or3A_746 = arith.ori %or3A_743, %shift_left3A_745 : vector<16xi32>
        %gather3A_747 = tpu.vector_load_idx %arg5[%add3A_729, %add3A_38] : memref<512x8xi32, #tpu.memory_space<vmem>>[vector<16xi32>, vector<16xi32>], vector<16xi32>,
        %shift_left3A_748 = arith.shli %add3A_8, %gather3A_747 : vector<16xi32>
        %or3A_749 = arith.ori %or3A_746, %shift_left3A_748 : vector<16xi32>
        %mul3A_750 = arith.constant 512 : i32
        %mul3A_751 = arith.muli %scan3A_49, %mul3A_750 : i32
        %add3A_752 = arith.addi %mul3A_751, %scan3A_711 : i32
        %add3A_753 = vector.broadcast %add3A_752 : i32 to vector<16xi32>
        %add3A_754 = arith.addi %mul3A_11, %add3A_753 : vector<16xi32>
        %shift_right_arithmetic3A_755 = arith.constant 7 : i32
        %shift_right_arithmetic3A_756 = vector.broadcast %shift_right_arithmetic3A_755 : i32 to vector<16xi32>
        %shift_right_arithmetic3A_757 = arith.shrsi %add3A_754, %shift_right_arithmetic3A_756 : vector<16xi32>
        %and3A_758 = arith.constant 127 : i32
        %and3A_759 = vector.broadcast %and3A_758 : i32 to vector<16xi32>
        %and3A_760 = arith.andi %add3A_754, %and3A_759 : vector<16xi32>
        %gather3A_761 = tpu.vector_load_idx %arg6[%shift_right_arithmetic3A_757, %and3A_760] : memref<64x128xf32, #tpu.memory_space<vmem>>[vector<16xi32>, vector<16xi32>], vector<16xf32>,
        %mul3A_762 = arith.constant 5.000000e-01 : f32
        %mul3A_763 = vector.broadcast %mul3A_762 : f32 to vector<16xf32>
        %mul3A_764 = arith.mulf %gather3A_761, %mul3A_763 : vector<16xf32>
        %bitcast3A_765 = vector.bitcast %mul3A_764 : vector<16xf32> to vector<16xi32>
        %not3A_766 = arith.constant dense<-1> : vector<16xi32>
        %not3A_767 = arith.xori %bitcast3A_765, %not3A_766 : vector<16xi32>
        %shift_left3A_768 = arith.constant 16 : i32
        %shift_left3A_769 = vector.broadcast %shift_left3A_768 : i32 to vector<16xi32>
        %shift_left3A_770 = arith.shli %or3A_749, %shift_left3A_769 : vector<16xi32>
        %shift_right_arithmetic3A_771 = arith.constant 31 : i32
        %shift_right_arithmetic3A_772 = vector.broadcast %shift_right_arithmetic3A_771 : i32 to vector<16xi32>
        %shift_right_arithmetic3A_773 = arith.shrsi %shift_left3A_770, %shift_right_arithmetic3A_772 : vector<16xi32>
        %and3A_774 = arith.andi %not3A_767, %shift_right_arithmetic3A_773 : vector<16xi32>
        %max3A_775 = arith.maxui %scan3A_712, %and3A_774 : vector<16xi32>
        %shift_left3A_776 = arith.constant 1 : i32
        %shift_left3A_777 = vector.broadcast %shift_left3A_776 : i32 to vector<16xi32>
        %shift_left3A_778 = arith.shli %shift_left3A_770, %shift_left3A_777 : vector<16xi32>
        %shift_right_arithmetic3A_779 = arith.constant 31 : i32
        %shift_right_arithmetic3A_780 = vector.broadcast %shift_right_arithmetic3A_779 : i32 to vector<16xi32>
        %shift_right_arithmetic3A_781 = arith.shrsi %shift_left3A_778, %shift_right_arithmetic3A_780 : vector<16xi32>
        %and3A_782 = arith.andi %not3A_767, %shift_right_arithmetic3A_781 : vector<16xi32>
        %max3A_783 = arith.maxui %scan3A_713, %and3A_782 : vector<16xi32>
        %shift_left3A_784 = arith.constant 1 : i32
        %shift_left3A_785 = vector.broadcast %shift_left3A_784 : i32 to vector<16xi32>
        %shift_left3A_786 = arith.shli %shift_left3A_778, %shift_left3A_785 : vector<16xi32>
        %shift_right_arithmetic3A_787 = arith.constant 31 : i32
        %shift_right_arithmetic3A_788 = vector.broadcast %shift_right_arithmetic3A_787 : i32 to vector<16xi32>
        %shift_right_arithmetic3A_789 = arith.shrsi %shift_left3A_786, %shift_right_arithmetic3A_788 : vector<16xi32>
        %and3A_790 = arith.andi %not3A_767, %shift_right_arithmetic3A_789 : vector<16xi32>
        %max3A_791 = arith.maxui %scan3A_714, %and3A_790 : vector<16xi32>
        %shift_left3A_792 = arith.constant 1 : i32
        %shift_left3A_793 = vector.broadcast %shift_left3A_792 : i32 to vector<16xi32>
        %shift_left3A_794 = arith.shli %shift_left3A_786, %shift_left3A_793 : vector<16xi32>
        %shift_right_arithmetic3A_795 = arith.constant 31 : i32
        %shift_right_arithmetic3A_796 = vector.broadcast %shift_right_arithmetic3A_795 : i32 to vector<16xi32>
        %shift_right_arithmetic3A_797 = arith.shrsi %shift_left3A_794, %shift_right_arithmetic3A_796 : vector<16xi32>
        %and3A_798 = arith.andi %not3A_767, %shift_right_arithmetic3A_797 : vector<16xi32>
        %max3A_799 = arith.maxui %scan3A_715, %and3A_798 : vector<16xi32>
        %shift_left3A_800 = arith.constant 1 : i32
        %shift_left3A_801 = vector.broadcast %shift_left3A_800 : i32 to vector<16xi32>
        %shift_left3A_802 = arith.shli %shift_left3A_794, %shift_left3A_801 : vector<16xi32>
        %shift_right_arithmetic3A_803 = arith.constant 31 : i32
        %shift_right_arithmetic3A_804 = vector.broadcast %shift_right_arithmetic3A_803 : i32 to vector<16xi32>
        %shift_right_arithmetic3A_805 = arith.shrsi %shift_left3A_802, %shift_right_arithmetic3A_804 : vector<16xi32>
        %and3A_806 = arith.andi %not3A_767, %shift_right_arithmetic3A_805 : vector<16xi32>
        %max3A_807 = arith.maxui %scan3A_716, %and3A_806 : vector<16xi32>
        %shift_left3A_808 = arith.constant 1 : i32
        %shift_left3A_809 = vector.broadcast %shift_left3A_808 : i32 to vector<16xi32>
        %shift_left3A_810 = arith.shli %shift_left3A_802, %shift_left3A_809 : vector<16xi32>
        %shift_right_arithmetic3A_811 = arith.constant 31 : i32
        %shift_right_arithmetic3A_812 = vector.broadcast %shift_right_arithmetic3A_811 : i32 to vector<16xi32>
        %shift_right_arithmetic3A_813 = arith.shrsi %shift_left3A_810, %shift_right_arithmetic3A_812 : vector<16xi32>
        %and3A_814 = arith.andi %not3A_767, %shift_right_arithmetic3A_813 : vector<16xi32>
        %max3A_815 = arith.maxui %scan3A_717, %and3A_814 : vector<16xi32>
        %shift_left3A_816 = arith.constant 1 : i32
        %shift_left3A_817 = vector.broadcast %shift_left3A_816 : i32 to vector<16xi32>
        %shift_left3A_818 = arith.shli %shift_left3A_810, %shift_left3A_817 : vector<16xi32>
        %shift_right_arithmetic3A_819 = arith.constant 31 : i32
        %shift_right_arithmetic3A_820 = vector.broadcast %shift_right_arithmetic3A_819 : i32 to vector<16xi32>
        %shift_right_arithmetic3A_821 = arith.shrsi %shift_left3A_818, %shift_right_arithmetic3A_820 : vector<16xi32>
        %and3A_822 = arith.andi %not3A_767, %shift_right_arithmetic3A_821 : vector<16xi32>
        %max3A_823 = arith.maxui %scan3A_718, %and3A_822 : vector<16xi32>
        %shift_left3A_824 = arith.constant 1 : i32
        %shift_left3A_825 = vector.broadcast %shift_left3A_824 : i32 to vector<16xi32>
        %shift_left3A_826 = arith.shli %shift_left3A_818, %shift_left3A_825 : vector<16xi32>
        %shift_right_arithmetic3A_827 = arith.constant 31 : i32
        %shift_right_arithmetic3A_828 = vector.broadcast %shift_right_arithmetic3A_827 : i32 to vector<16xi32>
        %shift_right_arithmetic3A_829 = arith.shrsi %shift_left3A_826, %shift_right_arithmetic3A_828 : vector<16xi32>
        %and3A_830 = arith.andi %not3A_767, %shift_right_arithmetic3A_829 : vector<16xi32>
        %max3A_831 = arith.maxui %scan3A_719, %and3A_830 : vector<16xi32>
        %shift_left3A_832 = arith.constant 1 : i32
        %shift_left3A_833 = vector.broadcast %shift_left3A_832 : i32 to vector<16xi32>
        %shift_left3A_834 = arith.shli %shift_left3A_826, %shift_left3A_833 : vector<16xi32>
        %shift_right_arithmetic3A_835 = arith.constant 31 : i32
        %shift_right_arithmetic3A_836 = vector.broadcast %shift_right_arithmetic3A_835 : i32 to vector<16xi32>
        %shift_right_arithmetic3A_837 = arith.shrsi %shift_left3A_834, %shift_right_arithmetic3A_836 : vector<16xi32>
        %and3A_838 = arith.andi %not3A_767, %shift_right_arithmetic3A_837 : vector<16xi32>
        %max3A_839 = arith.maxui %scan3A_720, %and3A_838 : vector<16xi32>
        %shift_left3A_840 = arith.constant 1 : i32
        %shift_left3A_841 = vector.broadcast %shift_left3A_840 : i32 to vector<16xi32>
        %shift_left3A_842 = arith.shli %shift_left3A_834, %shift_left3A_841 : vector<16xi32>
        %shift_right_arithmetic3A_843 = arith.constant 31 : i32
        %shift_right_arithmetic3A_844 = vector.broadcast %shift_right_arithmetic3A_843 : i32 to vector<16xi32>
        %shift_right_arithmetic3A_845 = arith.shrsi %shift_left3A_842, %shift_right_arithmetic3A_844 : vector<16xi32>
        %and3A_846 = arith.andi %not3A_767, %shift_right_arithmetic3A_845 : vector<16xi32>
        %max3A_847 = arith.maxui %scan3A_721, %and3A_846 : vector<16xi32>
        %shift_left3A_848 = arith.constant 1 : i32
        %shift_left3A_849 = vector.broadcast %shift_left3A_848 : i32 to vector<16xi32>
        %shift_left3A_850 = arith.shli %shift_left3A_842, %shift_left3A_849 : vector<16xi32>
        %shift_right_arithmetic3A_851 = arith.constant 31 : i32
        %shift_right_arithmetic3A_852 = vector.broadcast %shift_right_arithmetic3A_851 : i32 to vector<16xi32>
        %shift_right_arithmetic3A_853 = arith.shrsi %shift_left3A_850, %shift_right_arithmetic3A_852 : vector<16xi32>
        %and3A_854 = arith.andi %not3A_767, %shift_right_arithmetic3A_853 : vector<16xi32>
        %max3A_855 = arith.maxui %scan3A_722, %and3A_854 : vector<16xi32>
        %shift_left3A_856 = arith.constant 1 : i32
        %shift_left3A_857 = vector.broadcast %shift_left3A_856 : i32 to vector<16xi32>
        %shift_left3A_858 = arith.shli %shift_left3A_850, %shift_left3A_857 : vector<16xi32>
        %shift_right_arithmetic3A_859 = arith.constant 31 : i32
        %shift_right_arithmetic3A_860 = vector.broadcast %shift_right_arithmetic3A_859 : i32 to vector<16xi32>
        %shift_right_arithmetic3A_861 = arith.shrsi %shift_left3A_858, %shift_right_arithmetic3A_860 : vector<16xi32>
        %and3A_862 = arith.andi %not3A_767, %shift_right_arithmetic3A_861 : vector<16xi32>
        %max3A_863 = arith.maxui %scan3A_723, %and3A_862 : vector<16xi32>
        %shift_left3A_864 = arith.constant 1 : i32
        %shift_left3A_865 = vector.broadcast %shift_left3A_864 : i32 to vector<16xi32>
        %shift_left3A_866 = arith.shli %shift_left3A_858, %shift_left3A_865 : vector<16xi32>
        %shift_right_arithmetic3A_867 = arith.constant 31 : i32
        %shift_right_arithmetic3A_868 = vector.broadcast %shift_right_arithmetic3A_867 : i32 to vector<16xi32>
        %shift_right_arithmetic3A_869 = arith.shrsi %shift_left3A_866, %shift_right_arithmetic3A_868 : vector<16xi32>
        %and3A_870 = arith.andi %not3A_767, %shift_right_arithmetic3A_869 : vector<16xi32>
        %max3A_871 = arith.maxui %scan3A_724, %and3A_870 : vector<16xi32>
        %shift_left3A_872 = arith.constant 1 : i32
        %shift_left3A_873 = vector.broadcast %shift_left3A_872 : i32 to vector<16xi32>
        %shift_left3A_874 = arith.shli %shift_left3A_866, %shift_left3A_873 : vector<16xi32>
        %shift_right_arithmetic3A_875 = arith.constant 31 : i32
        %shift_right_arithmetic3A_876 = vector.broadcast %shift_right_arithmetic3A_875 : i32 to vector<16xi32>
        %shift_right_arithmetic3A_877 = arith.shrsi %shift_left3A_874, %shift_right_arithmetic3A_876 : vector<16xi32>
        %and3A_878 = arith.andi %not3A_767, %shift_right_arithmetic3A_877 : vector<16xi32>
        %max3A_879 = arith.maxui %scan3A_725, %and3A_878 : vector<16xi32>
        %shift_left3A_880 = arith.constant 1 : i32
        %shift_left3A_881 = vector.broadcast %shift_left3A_880 : i32 to vector<16xi32>
        %shift_left3A_882 = arith.shli %shift_left3A_874, %shift_left3A_881 : vector<16xi32>
        %shift_right_arithmetic3A_883 = arith.constant 31 : i32
        %shift_right_arithmetic3A_884 = vector.broadcast %shift_right_arithmetic3A_883 : i32 to vector<16xi32>
        %shift_right_arithmetic3A_885 = arith.shrsi %shift_left3A_882, %shift_right_arithmetic3A_884 : vector<16xi32>
        %and3A_886 = arith.andi %not3A_767, %shift_right_arithmetic3A_885 : vector<16xi32>
        %max3A_887 = arith.maxui %scan3A_726, %and3A_886 : vector<16xi32>
        %shift_left3A_888 = arith.constant 1 : i32
        %shift_left3A_889 = vector.broadcast %shift_left3A_888 : i32 to vector<16xi32>
        %shift_left3A_890 = arith.shli %shift_left3A_882, %shift_left3A_889 : vector<16xi32>
        %shift_right_arithmetic3A_891 = arith.constant 31 : i32
        %shift_right_arithmetic3A_892 = vector.broadcast %shift_right_arithmetic3A_891 : i32 to vector<16xi32>
        %shift_right_arithmetic3A_893 = arith.shrsi %shift_left3A_890, %shift_right_arithmetic3A_892 : vector<16xi32>
        %and3A_894 = arith.andi %not3A_767, %shift_right_arithmetic3A_893 : vector<16xi32>
        %max3A_895 = arith.maxui %scan3A_727, %and3A_894 : vector<16xi32>
        %scan3A_896 = arith.constant 1 : i32
        %scan3A_897 = arith.addi %scan3A_711, %scan3A_896 : i32
        %add3A_898 = vector.broadcast %scan3A_897 : i32 to vector<16xi32>
        %add3A_899 = arith.addi %mul3A_11, %add3A_898 : vector<16xi32>
        %gather3A_900 = tpu.vector_load_idx %arg5[%add3A_899, %add3A_17] : memref<512x8xi32, #tpu.memory_space<vmem>>[vector<16xi32>, vector<16xi32>], vector<16xi32>,
        %shift_left3A_901 = arith.shli %add3A_8, %gather3A_900 : vector<16xi32>
        %gather3A_902 = tpu.vector_load_idx %arg5[%add3A_899, %add3A_20] : memref<512x8xi32, #tpu.memory_space<vmem>>[vector<16xi32>, vector<16xi32>], vector<16xi32>,
        %shift_left3A_903 = arith.shli %add3A_8, %gather3A_902 : vector<16xi32>
        %or3A_904 = arith.ori %shift_left3A_901, %shift_left3A_903 : vector<16xi32>
        %gather3A_905 = tpu.vector_load_idx %arg5[%add3A_899, %add3A_23] : memref<512x8xi32, #tpu.memory_space<vmem>>[vector<16xi32>, vector<16xi32>], vector<16xi32>,
        %shift_left3A_906 = arith.shli %add3A_8, %gather3A_905 : vector<16xi32>
        %or3A_907 = arith.ori %or3A_904, %shift_left3A_906 : vector<16xi32>
        %gather3A_908 = tpu.vector_load_idx %arg5[%add3A_899, %add3A_26] : memref<512x8xi32, #tpu.memory_space<vmem>>[vector<16xi32>, vector<16xi32>], vector<16xi32>,
        %shift_left3A_909 = arith.shli %add3A_8, %gather3A_908 : vector<16xi32>
        %or3A_910 = arith.ori %or3A_907, %shift_left3A_909 : vector<16xi32>
        %gather3A_911 = tpu.vector_load_idx %arg5[%add3A_899, %add3A_29] : memref<512x8xi32, #tpu.memory_space<vmem>>[vector<16xi32>, vector<16xi32>], vector<16xi32>,
        %shift_left3A_912 = arith.shli %add3A_8, %gather3A_911 : vector<16xi32>
        %or3A_913 = arith.ori %or3A_910, %shift_left3A_912 : vector<16xi32>
        %gather3A_914 = tpu.vector_load_idx %arg5[%add3A_899, %add3A_32] : memref<512x8xi32, #tpu.memory_space<vmem>>[vector<16xi32>, vector<16xi32>], vector<16xi32>,
        %shift_left3A_915 = arith.shli %add3A_8, %gather3A_914 : vector<16xi32>
        %or3A_916 = arith.ori %or3A_913, %shift_left3A_915 : vector<16xi32>
        %gather3A_917 = tpu.vector_load_idx %arg5[%add3A_899, %add3A_35] : memref<512x8xi32, #tpu.memory_space<vmem>>[vector<16xi32>, vector<16xi32>], vector<16xi32>,
        %shift_left3A_918 = arith.shli %add3A_8, %gather3A_917 : vector<16xi32>
        %or3A_919 = arith.ori %or3A_916, %shift_left3A_918 : vector<16xi32>
        %gather3A_920 = tpu.vector_load_idx %arg5[%add3A_899, %add3A_38] : memref<512x8xi32, #tpu.memory_space<vmem>>[vector<16xi32>, vector<16xi32>], vector<16xi32>,
        %shift_left3A_921 = arith.shli %add3A_8, %gather3A_920 : vector<16xi32>
        %or3A_922 = arith.ori %or3A_919, %shift_left3A_921 : vector<16xi32>
        %mul3A_923 = arith.constant 512 : i32
        %mul3A_924 = arith.muli %scan3A_49, %mul3A_923 : i32
        %add3A_925 = arith.addi %mul3A_924, %scan3A_897 : i32
        %add3A_926 = vector.broadcast %add3A_925 : i32 to vector<16xi32>
        %add3A_927 = arith.addi %mul3A_11, %add3A_926 : vector<16xi32>
        %shift_right_arithmetic3A_928 = arith.constant 7 : i32
        %shift_right_arithmetic3A_929 = vector.broadcast %shift_right_arithmetic3A_928 : i32 to vector<16xi32>
        %shift_right_arithmetic3A_930 = arith.shrsi %add3A_927, %shift_right_arithmetic3A_929 : vector<16xi32>
        %and3A_931 = arith.constant 127 : i32
        %and3A_932 = vector.broadcast %and3A_931 : i32 to vector<16xi32>
        %and3A_933 = arith.andi %add3A_927, %and3A_932 : vector<16xi32>
        %gather3A_934 = tpu.vector_load_idx %arg6[%shift_right_arithmetic3A_930, %and3A_933] : memref<64x128xf32, #tpu.memory_space<vmem>>[vector<16xi32>, vector<16xi32>], vector<16xf32>,
        %mul3A_935 = arith.constant 5.000000e-01 : f32
        %mul3A_936 = vector.broadcast %mul3A_935 : f32 to vector<16xf32>
        %mul3A_937 = arith.mulf %gather3A_934, %mul3A_936 : vector<16xf32>
        %bitcast3A_938 = vector.bitcast %mul3A_937 : vector<16xf32> to vector<16xi32>
        %not3A_939 = arith.constant dense<-1> : vector<16xi32>
        %not3A_940 = arith.xori %bitcast3A_938, %not3A_939 : vector<16xi32>
        %shift_left3A_941 = arith.constant 16 : i32
        %shift_left3A_942 = vector.broadcast %shift_left3A_941 : i32 to vector<16xi32>
        %shift_left3A_943 = arith.shli %or3A_922, %shift_left3A_942 : vector<16xi32>
        %shift_right_arithmetic3A_944 = arith.constant 31 : i32
        %shift_right_arithmetic3A_945 = vector.broadcast %shift_right_arithmetic3A_944 : i32 to vector<16xi32>
        %shift_right_arithmetic3A_946 = arith.shrsi %shift_left3A_943, %shift_right_arithmetic3A_945 : vector<16xi32>
        %and3A_947 = arith.andi %not3A_940, %shift_right_arithmetic3A_946 : vector<16xi32>
        %max3A_948 = arith.maxui %max3A_775, %and3A_947 : vector<16xi32>
        %shift_left3A_949 = arith.constant 1 : i32
        %shift_left3A_950 = vector.broadcast %shift_left3A_949 : i32 to vector<16xi32>
        %shift_left3A_951 = arith.shli %shift_left3A_943, %shift_left3A_950 : vector<16xi32>
        %shift_right_arithmetic3A_952 = arith.constant 31 : i32
        %shift_right_arithmetic3A_953 = vector.broadcast %shift_right_arithmetic3A_952 : i32 to vector<16xi32>
        %shift_right_arithmetic3A_954 = arith.shrsi %shift_left3A_951, %shift_right_arithmetic3A_953 : vector<16xi32>
        %and3A_955 = arith.andi %not3A_940, %shift_right_arithmetic3A_954 : vector<16xi32>
        %max3A_956 = arith.maxui %max3A_783, %and3A_955 : vector<16xi32>
        %shift_left3A_957 = arith.constant 1 : i32
        %shift_left3A_958 = vector.broadcast %shift_left3A_957 : i32 to vector<16xi32>
        %shift_left3A_959 = arith.shli %shift_left3A_951, %shift_left3A_958 : vector<16xi32>
        %shift_right_arithmetic3A_960 = arith.constant 31 : i32
        %shift_right_arithmetic3A_961 = vector.broadcast %shift_right_arithmetic3A_960 : i32 to vector<16xi32>
        %shift_right_arithmetic3A_962 = arith.shrsi %shift_left3A_959, %shift_right_arithmetic3A_961 : vector<16xi32>
        %and3A_963 = arith.andi %not3A_940, %shift_right_arithmetic3A_962 : vector<16xi32>
        %max3A_964 = arith.maxui %max3A_791, %and3A_963 : vector<16xi32>
        %shift_left3A_965 = arith.constant 1 : i32
        %shift_left3A_966 = vector.broadcast %shift_left3A_965 : i32 to vector<16xi32>
        %shift_left3A_967 = arith.shli %shift_left3A_959, %shift_left3A_966 : vector<16xi32>
        %shift_right_arithmetic3A_968 = arith.constant 31 : i32
        %shift_right_arithmetic3A_969 = vector.broadcast %shift_right_arithmetic3A_968 : i32 to vector<16xi32>
        %shift_right_arithmetic3A_970 = arith.shrsi %shift_left3A_967, %shift_right_arithmetic3A_969 : vector<16xi32>
        %and3A_971 = arith.andi %not3A_940, %shift_right_arithmetic3A_970 : vector<16xi32>
        %max3A_972 = arith.maxui %max3A_799, %and3A_971 : vector<16xi32>
        %shift_left3A_973 = arith.constant 1 : i32
        %shift_left3A_974 = vector.broadcast %shift_left3A_973 : i32 to vector<16xi32>
        %shift_left3A_975 = arith.shli %shift_left3A_967, %shift_left3A_974 : vector<16xi32>
        %shift_right_arithmetic3A_976 = arith.constant 31 : i32
        %shift_right_arithmetic3A_977 = vector.broadcast %shift_right_arithmetic3A_976 : i32 to vector<16xi32>
        %shift_right_arithmetic3A_978 = arith.shrsi %shift_left3A_975, %shift_right_arithmetic3A_977 : vector<16xi32>
        %and3A_979 = arith.andi %not3A_940, %shift_right_arithmetic3A_978 : vector<16xi32>
        %max3A_980 = arith.maxui %max3A_807, %and3A_979 : vector<16xi32>
        %shift_left3A_981 = arith.constant 1 : i32
        %shift_left3A_982 = vector.broadcast %shift_left3A_981 : i32 to vector<16xi32>
        %shift_left3A_983 = arith.shli %shift_left3A_975, %shift_left3A_982 : vector<16xi32>
        %shift_right_arithmetic3A_984 = arith.constant 31 : i32
        %shift_right_arithmetic3A_985 = vector.broadcast %shift_right_arithmetic3A_984 : i32 to vector<16xi32>
        %shift_right_arithmetic3A_986 = arith.shrsi %shift_left3A_983, %shift_right_arithmetic3A_985 : vector<16xi32>
        %and3A_987 = arith.andi %not3A_940, %shift_right_arithmetic3A_986 : vector<16xi32>
        %max3A_988 = arith.maxui %max3A_815, %and3A_987 : vector<16xi32>
        %shift_left3A_989 = arith.constant 1 : i32
        %shift_left3A_990 = vector.broadcast %shift_left3A_989 : i32 to vector<16xi32>
        %shift_left3A_991 = arith.shli %shift_left3A_983, %shift_left3A_990 : vector<16xi32>
        %shift_right_arithmetic3A_992 = arith.constant 31 : i32
        %shift_right_arithmetic3A_993 = vector.broadcast %shift_right_arithmetic3A_992 : i32 to vector<16xi32>
        %shift_right_arithmetic3A_994 = arith.shrsi %shift_left3A_991, %shift_right_arithmetic3A_993 : vector<16xi32>
        %and3A_995 = arith.andi %not3A_940, %shift_right_arithmetic3A_994 : vector<16xi32>
        %max3A_996 = arith.maxui %max3A_823, %and3A_995 : vector<16xi32>
        %shift_left3A_997 = arith.constant 1 : i32
        %shift_left3A_998 = vector.broadcast %shift_left3A_997 : i32 to vector<16xi32>
        %shift_left3A_999 = arith.shli %shift_left3A_991, %shift_left3A_998 : vector<16xi32>
        %shift_right_arithmetic3A_1000 = arith.constant 31 : i32
        %shift_right_arithmetic3A_1001 = vector.broadcast %shift_right_arithmetic3A_1000 : i32 to vector<16xi32>
        %shift_right_arithmetic3A_1002 = arith.shrsi %shift_left3A_999, %shift_right_arithmetic3A_1001 : vector<16xi32>
        %and3A_1003 = arith.andi %not3A_940, %shift_right_arithmetic3A_1002 : vector<16xi32>
        %max3A_1004 = arith.maxui %max3A_831, %and3A_1003 : vector<16xi32>
        %shift_left3A_1005 = arith.constant 1 : i32
        %shift_left3A_1006 = vector.broadcast %shift_left3A_1005 : i32 to vector<16xi32>
        %shift_left3A_1007 = arith.shli %shift_left3A_999, %shift_left3A_1006 : vector<16xi32>
        %shift_right_arithmetic3A_1008 = arith.constant 31 : i32
        %shift_right_arithmetic3A_1009 = vector.broadcast %shift_right_arithmetic3A_1008 : i32 to vector<16xi32>
        %shift_right_arithmetic3A_1010 = arith.shrsi %shift_left3A_1007, %shift_right_arithmetic3A_1009 : vector<16xi32>
        %and3A_1011 = arith.andi %not3A_940, %shift_right_arithmetic3A_1010 : vector<16xi32>
        %max3A_1012 = arith.maxui %max3A_839, %and3A_1011 : vector<16xi32>
        %shift_left3A_1013 = arith.constant 1 : i32
        %shift_left3A_1014 = vector.broadcast %shift_left3A_1013 : i32 to vector<16xi32>
        %shift_left3A_1015 = arith.shli %shift_left3A_1007, %shift_left3A_1014 : vector<16xi32>
        %shift_right_arithmetic3A_1016 = arith.constant 31 : i32
        %shift_right_arithmetic3A_1017 = vector.broadcast %shift_right_arithmetic3A_1016 : i32 to vector<16xi32>
        %shift_right_arithmetic3A_1018 = arith.shrsi %shift_left3A_1015, %shift_right_arithmetic3A_1017 : vector<16xi32>
        %and3A_1019 = arith.andi %not3A_940, %shift_right_arithmetic3A_1018 : vector<16xi32>
        %max3A_1020 = arith.maxui %max3A_847, %and3A_1019 : vector<16xi32>
        %shift_left3A_1021 = arith.constant 1 : i32
        %shift_left3A_1022 = vector.broadcast %shift_left3A_1021 : i32 to vector<16xi32>
        %shift_left3A_1023 = arith.shli %shift_left3A_1015, %shift_left3A_1022 : vector<16xi32>
        %shift_right_arithmetic3A_1024 = arith.constant 31 : i32
        %shift_right_arithmetic3A_1025 = vector.broadcast %shift_right_arithmetic3A_1024 : i32 to vector<16xi32>
        %shift_right_arithmetic3A_1026 = arith.shrsi %shift_left3A_1023, %shift_right_arithmetic3A_1025 : vector<16xi32>
        %and3A_1027 = arith.andi %not3A_940, %shift_right_arithmetic3A_1026 : vector<16xi32>
        %max3A_1028 = arith.maxui %max3A_855, %and3A_1027 : vector<16xi32>
        %shift_left3A_1029 = arith.constant 1 : i32
        %shift_left3A_1030 = vector.broadcast %shift_left3A_1029 : i32 to vector<16xi32>
        %shift_left3A_1031 = arith.shli %shift_left3A_1023, %shift_left3A_1030 : vector<16xi32>
        %shift_right_arithmetic3A_1032 = arith.constant 31 : i32
        %shift_right_arithmetic3A_1033 = vector.broadcast %shift_right_arithmetic3A_1032 : i32 to vector<16xi32>
        %shift_right_arithmetic3A_1034 = arith.shrsi %shift_left3A_1031, %shift_right_arithmetic3A_1033 : vector<16xi32>
        %and3A_1035 = arith.andi %not3A_940, %shift_right_arithmetic3A_1034 : vector<16xi32>
        %max3A_1036 = arith.maxui %max3A_863, %and3A_1035 : vector<16xi32>
        %shift_left3A_1037 = arith.constant 1 : i32
        %shift_left3A_1038 = vector.broadcast %shift_left3A_1037 : i32 to vector<16xi32>
        %shift_left3A_1039 = arith.shli %shift_left3A_1031, %shift_left3A_1038 : vector<16xi32>
        %shift_right_arithmetic3A_1040 = arith.constant 31 : i32
        %shift_right_arithmetic3A_1041 = vector.broadcast %shift_right_arithmetic3A_1040 : i32 to vector<16xi32>
        %shift_right_arithmetic3A_1042 = arith.shrsi %shift_left3A_1039, %shift_right_arithmetic3A_1041 : vector<16xi32>
        %and3A_1043 = arith.andi %not3A_940, %shift_right_arithmetic3A_1042 : vector<16xi32>
        %max3A_1044 = arith.maxui %max3A_871, %and3A_1043 : vector<16xi32>
        %shift_left3A_1045 = arith.constant 1 : i32
        %shift_left3A_1046 = vector.broadcast %shift_left3A_1045 : i32 to vector<16xi32>
        %shift_left3A_1047 = arith.shli %shift_left3A_1039, %shift_left3A_1046 : vector<16xi32>
        %shift_right_arithmetic3A_1048 = arith.constant 31 : i32
        %shift_right_arithmetic3A_1049 = vector.broadcast %shift_right_arithmetic3A_1048 : i32 to vector<16xi32>
        %shift_right_arithmetic3A_1050 = arith.shrsi %shift_left3A_1047, %shift_right_arithmetic3A_1049 : vector<16xi32>
        %and3A_1051 = arith.andi %not3A_940, %shift_right_arithmetic3A_1050 : vector<16xi32>
        %max3A_1052 = arith.maxui %max3A_879, %and3A_1051 : vector<16xi32>
        %shift_left3A_1053 = arith.constant 1 : i32
        %shift_left3A_1054 = vector.broadcast %shift_left3A_1053 : i32 to vector<16xi32>
        %shift_left3A_1055 = arith.shli %shift_left3A_1047, %shift_left3A_1054 : vector<16xi32>
        %shift_right_arithmetic3A_1056 = arith.constant 31 : i32
        %shift_right_arithmetic3A_1057 = vector.broadcast %shift_right_arithmetic3A_1056 : i32 to vector<16xi32>
        %shift_right_arithmetic3A_1058 = arith.shrsi %shift_left3A_1055, %shift_right_arithmetic3A_1057 : vector<16xi32>
        %and3A_1059 = arith.andi %not3A_940, %shift_right_arithmetic3A_1058 : vector<16xi32>
        %max3A_1060 = arith.maxui %max3A_887, %and3A_1059 : vector<16xi32>
        %shift_left3A_1061 = arith.constant 1 : i32
        %shift_left3A_1062 = vector.broadcast %shift_left3A_1061 : i32 to vector<16xi32>
        %shift_left3A_1063 = arith.shli %shift_left3A_1055, %shift_left3A_1062 : vector<16xi32>
        %shift_right_arithmetic3A_1064 = arith.constant 31 : i32
        %shift_right_arithmetic3A_1065 = vector.broadcast %shift_right_arithmetic3A_1064 : i32 to vector<16xi32>
        %shift_right_arithmetic3A_1066 = arith.shrsi %shift_left3A_1063, %shift_right_arithmetic3A_1065 : vector<16xi32>
        %and3A_1067 = arith.andi %not3A_940, %shift_right_arithmetic3A_1066 : vector<16xi32>
        %max3A_1068 = arith.maxui %max3A_895, %and3A_1067 : vector<16xi32>
        %scan3A_1069 = arith.constant 2 : i32
        %scan3A_1070 = arith.addi %scan3A_711, %scan3A_1069 : i32
        %add3A_1071 = vector.broadcast %scan3A_1070 : i32 to vector<16xi32>
        %add3A_1072 = arith.addi %mul3A_11, %add3A_1071 : vector<16xi32>
        %gather3A_1073 = tpu.vector_load_idx %arg5[%add3A_1072, %add3A_17] : memref<512x8xi32, #tpu.memory_space<vmem>>[vector<16xi32>, vector<16xi32>], vector<16xi32>,
        %shift_left3A_1074 = arith.shli %add3A_8, %gather3A_1073 : vector<16xi32>
        %gather3A_1075 = tpu.vector_load_idx %arg5[%add3A_1072, %add3A_20] : memref<512x8xi32, #tpu.memory_space<vmem>>[vector<16xi32>, vector<16xi32>], vector<16xi32>,
        %shift_left3A_1076 = arith.shli %add3A_8, %gather3A_1075 : vector<16xi32>
        %or3A_1077 = arith.ori %shift_left3A_1074, %shift_left3A_1076 : vector<16xi32>
        %gather3A_1078 = tpu.vector_load_idx %arg5[%add3A_1072, %add3A_23] : memref<512x8xi32, #tpu.memory_space<vmem>>[vector<16xi32>, vector<16xi32>], vector<16xi32>,
        %shift_left3A_1079 = arith.shli %add3A_8, %gather3A_1078 : vector<16xi32>
        %or3A_1080 = arith.ori %or3A_1077, %shift_left3A_1079 : vector<16xi32>
        %gather3A_1081 = tpu.vector_load_idx %arg5[%add3A_1072, %add3A_26] : memref<512x8xi32, #tpu.memory_space<vmem>>[vector<16xi32>, vector<16xi32>], vector<16xi32>,
        %shift_left3A_1082 = arith.shli %add3A_8, %gather3A_1081 : vector<16xi32>
        %or3A_1083 = arith.ori %or3A_1080, %shift_left3A_1082 : vector<16xi32>
        %gather3A_1084 = tpu.vector_load_idx %arg5[%add3A_1072, %add3A_29] : memref<512x8xi32, #tpu.memory_space<vmem>>[vector<16xi32>, vector<16xi32>], vector<16xi32>,
        %shift_left3A_1085 = arith.shli %add3A_8, %gather3A_1084 : vector<16xi32>
        %or3A_1086 = arith.ori %or3A_1083, %shift_left3A_1085 : vector<16xi32>
        %gather3A_1087 = tpu.vector_load_idx %arg5[%add3A_1072, %add3A_32] : memref<512x8xi32, #tpu.memory_space<vmem>>[vector<16xi32>, vector<16xi32>], vector<16xi32>,
        %shift_left3A_1088 = arith.shli %add3A_8, %gather3A_1087 : vector<16xi32>
        %or3A_1089 = arith.ori %or3A_1086, %shift_left3A_1088 : vector<16xi32>
        %gather3A_1090 = tpu.vector_load_idx %arg5[%add3A_1072, %add3A_35] : memref<512x8xi32, #tpu.memory_space<vmem>>[vector<16xi32>, vector<16xi32>], vector<16xi32>,
        %shift_left3A_1091 = arith.shli %add3A_8, %gather3A_1090 : vector<16xi32>
        %or3A_1092 = arith.ori %or3A_1089, %shift_left3A_1091 : vector<16xi32>
        %gather3A_1093 = tpu.vector_load_idx %arg5[%add3A_1072, %add3A_38] : memref<512x8xi32, #tpu.memory_space<vmem>>[vector<16xi32>, vector<16xi32>], vector<16xi32>,
        %shift_left3A_1094 = arith.shli %add3A_8, %gather3A_1093 : vector<16xi32>
        %or3A_1095 = arith.ori %or3A_1092, %shift_left3A_1094 : vector<16xi32>
        %mul3A_1096 = arith.constant 512 : i32
        %mul3A_1097 = arith.muli %scan3A_49, %mul3A_1096 : i32
        %add3A_1098 = arith.addi %mul3A_1097, %scan3A_1070 : i32
        %add3A_1099 = vector.broadcast %add3A_1098 : i32 to vector<16xi32>
        %add3A_1100 = arith.addi %mul3A_11, %add3A_1099 : vector<16xi32>
        %shift_right_arithmetic3A_1101 = arith.constant 7 : i32
        %shift_right_arithmetic3A_1102 = vector.broadcast %shift_right_arithmetic3A_1101 : i32 to vector<16xi32>
        %shift_right_arithmetic3A_1103 = arith.shrsi %add3A_1100, %shift_right_arithmetic3A_1102 : vector<16xi32>
        %and3A_1104 = arith.constant 127 : i32
        %and3A_1105 = vector.broadcast %and3A_1104 : i32 to vector<16xi32>
        %and3A_1106 = arith.andi %add3A_1100, %and3A_1105 : vector<16xi32>
        %gather3A_1107 = tpu.vector_load_idx %arg6[%shift_right_arithmetic3A_1103, %and3A_1106] : memref<64x128xf32, #tpu.memory_space<vmem>>[vector<16xi32>, vector<16xi32>], vector<16xf32>,
        %mul3A_1108 = arith.constant 5.000000e-01 : f32
        %mul3A_1109 = vector.broadcast %mul3A_1108 : f32 to vector<16xf32>
        %mul3A_1110 = arith.mulf %gather3A_1107, %mul3A_1109 : vector<16xf32>
        %bitcast3A_1111 = vector.bitcast %mul3A_1110 : vector<16xf32> to vector<16xi32>
        %not3A_1112 = arith.constant dense<-1> : vector<16xi32>
        %not3A_1113 = arith.xori %bitcast3A_1111, %not3A_1112 : vector<16xi32>
        %shift_left3A_1114 = arith.constant 16 : i32
        %shift_left3A_1115 = vector.broadcast %shift_left3A_1114 : i32 to vector<16xi32>
        %shift_left3A_1116 = arith.shli %or3A_1095, %shift_left3A_1115 : vector<16xi32>
        %shift_right_arithmetic3A_1117 = arith.constant 31 : i32
        %shift_right_arithmetic3A_1118 = vector.broadcast %shift_right_arithmetic3A_1117 : i32 to vector<16xi32>
        %shift_right_arithmetic3A_1119 = arith.shrsi %shift_left3A_1116, %shift_right_arithmetic3A_1118 : vector<16xi32>
        %and3A_1120 = arith.andi %not3A_1113, %shift_right_arithmetic3A_1119 : vector<16xi32>
        %max3A_1121 = arith.maxui %max3A_948, %and3A_1120 : vector<16xi32>
        %shift_left3A_1122 = arith.constant 1 : i32
        %shift_left3A_1123 = vector.broadcast %shift_left3A_1122 : i32 to vector<16xi32>
        %shift_left3A_1124 = arith.shli %shift_left3A_1116, %shift_left3A_1123 : vector<16xi32>
        %shift_right_arithmetic3A_1125 = arith.constant 31 : i32
        %shift_right_arithmetic3A_1126 = vector.broadcast %shift_right_arithmetic3A_1125 : i32 to vector<16xi32>
        %shift_right_arithmetic3A_1127 = arith.shrsi %shift_left3A_1124, %shift_right_arithmetic3A_1126 : vector<16xi32>
        %and3A_1128 = arith.andi %not3A_1113, %shift_right_arithmetic3A_1127 : vector<16xi32>
        %max3A_1129 = arith.maxui %max3A_956, %and3A_1128 : vector<16xi32>
        %shift_left3A_1130 = arith.constant 1 : i32
        %shift_left3A_1131 = vector.broadcast %shift_left3A_1130 : i32 to vector<16xi32>
        %shift_left3A_1132 = arith.shli %shift_left3A_1124, %shift_left3A_1131 : vector<16xi32>
        %shift_right_arithmetic3A_1133 = arith.constant 31 : i32
        %shift_right_arithmetic3A_1134 = vector.broadcast %shift_right_arithmetic3A_1133 : i32 to vector<16xi32>
        %shift_right_arithmetic3A_1135 = arith.shrsi %shift_left3A_1132, %shift_right_arithmetic3A_1134 : vector<16xi32>
        %and3A_1136 = arith.andi %not3A_1113, %shift_right_arithmetic3A_1135 : vector<16xi32>
        %max3A_1137 = arith.maxui %max3A_964, %and3A_1136 : vector<16xi32>
        %shift_left3A_1138 = arith.constant 1 : i32
        %shift_left3A_1139 = vector.broadcast %shift_left3A_1138 : i32 to vector<16xi32>
        %shift_left3A_1140 = arith.shli %shift_left3A_1132, %shift_left3A_1139 : vector<16xi32>
        %shift_right_arithmetic3A_1141 = arith.constant 31 : i32
        %shift_right_arithmetic3A_1142 = vector.broadcast %shift_right_arithmetic3A_1141 : i32 to vector<16xi32>
        %shift_right_arithmetic3A_1143 = arith.shrsi %shift_left3A_1140, %shift_right_arithmetic3A_1142 : vector<16xi32>
        %and3A_1144 = arith.andi %not3A_1113, %shift_right_arithmetic3A_1143 : vector<16xi32>
        %max3A_1145 = arith.maxui %max3A_972, %and3A_1144 : vector<16xi32>
        %shift_left3A_1146 = arith.constant 1 : i32
        %shift_left3A_1147 = vector.broadcast %shift_left3A_1146 : i32 to vector<16xi32>
        %shift_left3A_1148 = arith.shli %shift_left3A_1140, %shift_left3A_1147 : vector<16xi32>
        %shift_right_arithmetic3A_1149 = arith.constant 31 : i32
        %shift_right_arithmetic3A_1150 = vector.broadcast %shift_right_arithmetic3A_1149 : i32 to vector<16xi32>
        %shift_right_arithmetic3A_1151 = arith.shrsi %shift_left3A_1148, %shift_right_arithmetic3A_1150 : vector<16xi32>
        %and3A_1152 = arith.andi %not3A_1113, %shift_right_arithmetic3A_1151 : vector<16xi32>
        %max3A_1153 = arith.maxui %max3A_980, %and3A_1152 : vector<16xi32>
        %shift_left3A_1154 = arith.constant 1 : i32
        %shift_left3A_1155 = vector.broadcast %shift_left3A_1154 : i32 to vector<16xi32>
        %shift_left3A_1156 = arith.shli %shift_left3A_1148, %shift_left3A_1155 : vector<16xi32>
        %shift_right_arithmetic3A_1157 = arith.constant 31 : i32
        %shift_right_arithmetic3A_1158 = vector.broadcast %shift_right_arithmetic3A_1157 : i32 to vector<16xi32>
        %shift_right_arithmetic3A_1159 = arith.shrsi %shift_left3A_1156, %shift_right_arithmetic3A_1158 : vector<16xi32>
        %and3A_1160 = arith.andi %not3A_1113, %shift_right_arithmetic3A_1159 : vector<16xi32>
        %max3A_1161 = arith.maxui %max3A_988, %and3A_1160 : vector<16xi32>
        %shift_left3A_1162 = arith.constant 1 : i32
        %shift_left3A_1163 = vector.broadcast %shift_left3A_1162 : i32 to vector<16xi32>
        %shift_left3A_1164 = arith.shli %shift_left3A_1156, %shift_left3A_1163 : vector<16xi32>
        %shift_right_arithmetic3A_1165 = arith.constant 31 : i32
        %shift_right_arithmetic3A_1166 = vector.broadcast %shift_right_arithmetic3A_1165 : i32 to vector<16xi32>
        %shift_right_arithmetic3A_1167 = arith.shrsi %shift_left3A_1164, %shift_right_arithmetic3A_1166 : vector<16xi32>
        %and3A_1168 = arith.andi %not3A_1113, %shift_right_arithmetic3A_1167 : vector<16xi32>
        %max3A_1169 = arith.maxui %max3A_996, %and3A_1168 : vector<16xi32>
        %shift_left3A_1170 = arith.constant 1 : i32
        %shift_left3A_1171 = vector.broadcast %shift_left3A_1170 : i32 to vector<16xi32>
        %shift_left3A_1172 = arith.shli %shift_left3A_1164, %shift_left3A_1171 : vector<16xi32>
        %shift_right_arithmetic3A_1173 = arith.constant 31 : i32
        %shift_right_arithmetic3A_1174 = vector.broadcast %shift_right_arithmetic3A_1173 : i32 to vector<16xi32>
        %shift_right_arithmetic3A_1175 = arith.shrsi %shift_left3A_1172, %shift_right_arithmetic3A_1174 : vector<16xi32>
        %and3A_1176 = arith.andi %not3A_1113, %shift_right_arithmetic3A_1175 : vector<16xi32>
        %max3A_1177 = arith.maxui %max3A_1004, %and3A_1176 : vector<16xi32>
        %shift_left3A_1178 = arith.constant 1 : i32
        %shift_left3A_1179 = vector.broadcast %shift_left3A_1178 : i32 to vector<16xi32>
        %shift_left3A_1180 = arith.shli %shift_left3A_1172, %shift_left3A_1179 : vector<16xi32>
        %shift_right_arithmetic3A_1181 = arith.constant 31 : i32
        %shift_right_arithmetic3A_1182 = vector.broadcast %shift_right_arithmetic3A_1181 : i32 to vector<16xi32>
        %shift_right_arithmetic3A_1183 = arith.shrsi %shift_left3A_1180, %shift_right_arithmetic3A_1182 : vector<16xi32>
        %and3A_1184 = arith.andi %not3A_1113, %shift_right_arithmetic3A_1183 : vector<16xi32>
        %max3A_1185 = arith.maxui %max3A_1012, %and3A_1184 : vector<16xi32>
        %shift_left3A_1186 = arith.constant 1 : i32
        %shift_left3A_1187 = vector.broadcast %shift_left3A_1186 : i32 to vector<16xi32>
        %shift_left3A_1188 = arith.shli %shift_left3A_1180, %shift_left3A_1187 : vector<16xi32>
        %shift_right_arithmetic3A_1189 = arith.constant 31 : i32
        %shift_right_arithmetic3A_1190 = vector.broadcast %shift_right_arithmetic3A_1189 : i32 to vector<16xi32>
        %shift_right_arithmetic3A_1191 = arith.shrsi %shift_left3A_1188, %shift_right_arithmetic3A_1190 : vector<16xi32>
        %and3A_1192 = arith.andi %not3A_1113, %shift_right_arithmetic3A_1191 : vector<16xi32>
        %max3A_1193 = arith.maxui %max3A_1020, %and3A_1192 : vector<16xi32>
        %shift_left3A_1194 = arith.constant 1 : i32
        %shift_left3A_1195 = vector.broadcast %shift_left3A_1194 : i32 to vector<16xi32>
        %shift_left3A_1196 = arith.shli %shift_left3A_1188, %shift_left3A_1195 : vector<16xi32>
        %shift_right_arithmetic3A_1197 = arith.constant 31 : i32
        %shift_right_arithmetic3A_1198 = vector.broadcast %shift_right_arithmetic3A_1197 : i32 to vector<16xi32>
        %shift_right_arithmetic3A_1199 = arith.shrsi %shift_left3A_1196, %shift_right_arithmetic3A_1198 : vector<16xi32>
        %and3A_1200 = arith.andi %not3A_1113, %shift_right_arithmetic3A_1199 : vector<16xi32>
        %max3A_1201 = arith.maxui %max3A_1028, %and3A_1200 : vector<16xi32>
        %shift_left3A_1202 = arith.constant 1 : i32
        %shift_left3A_1203 = vector.broadcast %shift_left3A_1202 : i32 to vector<16xi32>
        %shift_left3A_1204 = arith.shli %shift_left3A_1196, %shift_left3A_1203 : vector<16xi32>
        %shift_right_arithmetic3A_1205 = arith.constant 31 : i32
        %shift_right_arithmetic3A_1206 = vector.broadcast %shift_right_arithmetic3A_1205 : i32 to vector<16xi32>
        %shift_right_arithmetic3A_1207 = arith.shrsi %shift_left3A_1204, %shift_right_arithmetic3A_1206 : vector<16xi32>
        %and3A_1208 = arith.andi %not3A_1113, %shift_right_arithmetic3A_1207 : vector<16xi32>
        %max3A_1209 = arith.maxui %max3A_1036, %and3A_1208 : vector<16xi32>
        %shift_left3A_1210 = arith.constant 1 : i32
        %shift_left3A_1211 = vector.broadcast %shift_left3A_1210 : i32 to vector<16xi32>
        %shift_left3A_1212 = arith.shli %shift_left3A_1204, %shift_left3A_1211 : vector<16xi32>
        %shift_right_arithmetic3A_1213 = arith.constant 31 : i32
        %shift_right_arithmetic3A_1214 = vector.broadcast %shift_right_arithmetic3A_1213 : i32 to vector<16xi32>
        %shift_right_arithmetic3A_1215 = arith.shrsi %shift_left3A_1212, %shift_right_arithmetic3A_1214 : vector<16xi32>
        %and3A_1216 = arith.andi %not3A_1113, %shift_right_arithmetic3A_1215 : vector<16xi32>
        %max3A_1217 = arith.maxui %max3A_1044, %and3A_1216 : vector<16xi32>
        %shift_left3A_1218 = arith.constant 1 : i32
        %shift_left3A_1219 = vector.broadcast %shift_left3A_1218 : i32 to vector<16xi32>
        %shift_left3A_1220 = arith.shli %shift_left3A_1212, %shift_left3A_1219 : vector<16xi32>
        %shift_right_arithmetic3A_1221 = arith.constant 31 : i32
        %shift_right_arithmetic3A_1222 = vector.broadcast %shift_right_arithmetic3A_1221 : i32 to vector<16xi32>
        %shift_right_arithmetic3A_1223 = arith.shrsi %shift_left3A_1220, %shift_right_arithmetic3A_1222 : vector<16xi32>
        %and3A_1224 = arith.andi %not3A_1113, %shift_right_arithmetic3A_1223 : vector<16xi32>
        %max3A_1225 = arith.maxui %max3A_1052, %and3A_1224 : vector<16xi32>
        %shift_left3A_1226 = arith.constant 1 : i32
        %shift_left3A_1227 = vector.broadcast %shift_left3A_1226 : i32 to vector<16xi32>
        %shift_left3A_1228 = arith.shli %shift_left3A_1220, %shift_left3A_1227 : vector<16xi32>
        %shift_right_arithmetic3A_1229 = arith.constant 31 : i32
        %shift_right_arithmetic3A_1230 = vector.broadcast %shift_right_arithmetic3A_1229 : i32 to vector<16xi32>
        %shift_right_arithmetic3A_1231 = arith.shrsi %shift_left3A_1228, %shift_right_arithmetic3A_1230 : vector<16xi32>
        %and3A_1232 = arith.andi %not3A_1113, %shift_right_arithmetic3A_1231 : vector<16xi32>
        %max3A_1233 = arith.maxui %max3A_1060, %and3A_1232 : vector<16xi32>
        %shift_left3A_1234 = arith.constant 1 : i32
        %shift_left3A_1235 = vector.broadcast %shift_left3A_1234 : i32 to vector<16xi32>
        %shift_left3A_1236 = arith.shli %shift_left3A_1228, %shift_left3A_1235 : vector<16xi32>
        %shift_right_arithmetic3A_1237 = arith.constant 31 : i32
        %shift_right_arithmetic3A_1238 = vector.broadcast %shift_right_arithmetic3A_1237 : i32 to vector<16xi32>
        %shift_right_arithmetic3A_1239 = arith.shrsi %shift_left3A_1236, %shift_right_arithmetic3A_1238 : vector<16xi32>
        %and3A_1240 = arith.andi %not3A_1113, %shift_right_arithmetic3A_1239 : vector<16xi32>
        %max3A_1241 = arith.maxui %max3A_1068, %and3A_1240 : vector<16xi32>
        %scan3A_1242 = arith.constant 3 : i32
        %scan3A_1243 = arith.addi %scan3A_711, %scan3A_1242 : i32
        %add3A_1244 = vector.broadcast %scan3A_1243 : i32 to vector<16xi32>
        %add3A_1245 = arith.addi %mul3A_11, %add3A_1244 : vector<16xi32>
        %gather3A_1246 = tpu.vector_load_idx %arg5[%add3A_1245, %add3A_17] : memref<512x8xi32, #tpu.memory_space<vmem>>[vector<16xi32>, vector<16xi32>], vector<16xi32>,
        %shift_left3A_1247 = arith.shli %add3A_8, %gather3A_1246 : vector<16xi32>
        %gather3A_1248 = tpu.vector_load_idx %arg5[%add3A_1245, %add3A_20] : memref<512x8xi32, #tpu.memory_space<vmem>>[vector<16xi32>, vector<16xi32>], vector<16xi32>,
        %shift_left3A_1249 = arith.shli %add3A_8, %gather3A_1248 : vector<16xi32>
        %or3A_1250 = arith.ori %shift_left3A_1247, %shift_left3A_1249 : vector<16xi32>
        %gather3A_1251 = tpu.vector_load_idx %arg5[%add3A_1245, %add3A_23] : memref<512x8xi32, #tpu.memory_space<vmem>>[vector<16xi32>, vector<16xi32>], vector<16xi32>,
        %shift_left3A_1252 = arith.shli %add3A_8, %gather3A_1251 : vector<16xi32>
        %or3A_1253 = arith.ori %or3A_1250, %shift_left3A_1252 : vector<16xi32>
        %gather3A_1254 = tpu.vector_load_idx %arg5[%add3A_1245, %add3A_26] : memref<512x8xi32, #tpu.memory_space<vmem>>[vector<16xi32>, vector<16xi32>], vector<16xi32>,
        %shift_left3A_1255 = arith.shli %add3A_8, %gather3A_1254 : vector<16xi32>
        %or3A_1256 = arith.ori %or3A_1253, %shift_left3A_1255 : vector<16xi32>
        %gather3A_1257 = tpu.vector_load_idx %arg5[%add3A_1245, %add3A_29] : memref<512x8xi32, #tpu.memory_space<vmem>>[vector<16xi32>, vector<16xi32>], vector<16xi32>,
        %shift_left3A_1258 = arith.shli %add3A_8, %gather3A_1257 : vector<16xi32>
        %or3A_1259 = arith.ori %or3A_1256, %shift_left3A_1258 : vector<16xi32>
        %gather3A_1260 = tpu.vector_load_idx %arg5[%add3A_1245, %add3A_32] : memref<512x8xi32, #tpu.memory_space<vmem>>[vector<16xi32>, vector<16xi32>], vector<16xi32>,
        %shift_left3A_1261 = arith.shli %add3A_8, %gather3A_1260 : vector<16xi32>
        %or3A_1262 = arith.ori %or3A_1259, %shift_left3A_1261 : vector<16xi32>
        %gather3A_1263 = tpu.vector_load_idx %arg5[%add3A_1245, %add3A_35] : memref<512x8xi32, #tpu.memory_space<vmem>>[vector<16xi32>, vector<16xi32>], vector<16xi32>,
        %shift_left3A_1264 = arith.shli %add3A_8, %gather3A_1263 : vector<16xi32>
        %or3A_1265 = arith.ori %or3A_1262, %shift_left3A_1264 : vector<16xi32>
        %gather3A_1266 = tpu.vector_load_idx %arg5[%add3A_1245, %add3A_38] : memref<512x8xi32, #tpu.memory_space<vmem>>[vector<16xi32>, vector<16xi32>], vector<16xi32>,
        %shift_left3A_1267 = arith.shli %add3A_8, %gather3A_1266 : vector<16xi32>
        %or3A_1268 = arith.ori %or3A_1265, %shift_left3A_1267 : vector<16xi32>
        %mul3A_1269 = arith.constant 512 : i32
        %mul3A_1270 = arith.muli %scan3A_49, %mul3A_1269 : i32
        %add3A_1271 = arith.addi %mul3A_1270, %scan3A_1243 : i32
        %add3A_1272 = vector.broadcast %add3A_1271 : i32 to vector<16xi32>
        %add3A_1273 = arith.addi %mul3A_11, %add3A_1272 : vector<16xi32>
        %shift_right_arithmetic3A_1274 = arith.constant 7 : i32
        %shift_right_arithmetic3A_1275 = vector.broadcast %shift_right_arithmetic3A_1274 : i32 to vector<16xi32>
        %shift_right_arithmetic3A_1276 = arith.shrsi %add3A_1273, %shift_right_arithmetic3A_1275 : vector<16xi32>
        %and3A_1277 = arith.constant 127 : i32
        %and3A_1278 = vector.broadcast %and3A_1277 : i32 to vector<16xi32>
        %and3A_1279 = arith.andi %add3A_1273, %and3A_1278 : vector<16xi32>
        %gather3A_1280 = tpu.vector_load_idx %arg6[%shift_right_arithmetic3A_1276, %and3A_1279] : memref<64x128xf32, #tpu.memory_space<vmem>>[vector<16xi32>, vector<16xi32>], vector<16xf32>,
        %mul3A_1281 = arith.constant 5.000000e-01 : f32
        %mul3A_1282 = vector.broadcast %mul3A_1281 : f32 to vector<16xf32>
        %mul3A_1283 = arith.mulf %gather3A_1280, %mul3A_1282 : vector<16xf32>
        %bitcast3A_1284 = vector.bitcast %mul3A_1283 : vector<16xf32> to vector<16xi32>
        %not3A_1285 = arith.constant dense<-1> : vector<16xi32>
        %not3A_1286 = arith.xori %bitcast3A_1284, %not3A_1285 : vector<16xi32>
        %shift_left3A_1287 = arith.constant 16 : i32
        %shift_left3A_1288 = vector.broadcast %shift_left3A_1287 : i32 to vector<16xi32>
        %shift_left3A_1289 = arith.shli %or3A_1268, %shift_left3A_1288 : vector<16xi32>
        %shift_right_arithmetic3A_1290 = arith.constant 31 : i32
        %shift_right_arithmetic3A_1291 = vector.broadcast %shift_right_arithmetic3A_1290 : i32 to vector<16xi32>
        %shift_right_arithmetic3A_1292 = arith.shrsi %shift_left3A_1289, %shift_right_arithmetic3A_1291 : vector<16xi32>
        %and3A_1293 = arith.andi %not3A_1286, %shift_right_arithmetic3A_1292 : vector<16xi32>
        %max3A_1294 = arith.maxui %max3A_1121, %and3A_1293 : vector<16xi32>
        %shift_left3A_1295 = arith.constant 1 : i32
        %shift_left3A_1296 = vector.broadcast %shift_left3A_1295 : i32 to vector<16xi32>
        %shift_left3A_1297 = arith.shli %shift_left3A_1289, %shift_left3A_1296 : vector<16xi32>
        %shift_right_arithmetic3A_1298 = arith.constant 31 : i32
        %shift_right_arithmetic3A_1299 = vector.broadcast %shift_right_arithmetic3A_1298 : i32 to vector<16xi32>
        %shift_right_arithmetic3A_1300 = arith.shrsi %shift_left3A_1297, %shift_right_arithmetic3A_1299 : vector<16xi32>
        %and3A_1301 = arith.andi %not3A_1286, %shift_right_arithmetic3A_1300 : vector<16xi32>
        %max3A_1302 = arith.maxui %max3A_1129, %and3A_1301 : vector<16xi32>
        %shift_left3A_1303 = arith.constant 1 : i32
        %shift_left3A_1304 = vector.broadcast %shift_left3A_1303 : i32 to vector<16xi32>
        %shift_left3A_1305 = arith.shli %shift_left3A_1297, %shift_left3A_1304 : vector<16xi32>
        %shift_right_arithmetic3A_1306 = arith.constant 31 : i32
        %shift_right_arithmetic3A_1307 = vector.broadcast %shift_right_arithmetic3A_1306 : i32 to vector<16xi32>
        %shift_right_arithmetic3A_1308 = arith.shrsi %shift_left3A_1305, %shift_right_arithmetic3A_1307 : vector<16xi32>
        %and3A_1309 = arith.andi %not3A_1286, %shift_right_arithmetic3A_1308 : vector<16xi32>
        %max3A_1310 = arith.maxui %max3A_1137, %and3A_1309 : vector<16xi32>
        %shift_left3A_1311 = arith.constant 1 : i32
        %shift_left3A_1312 = vector.broadcast %shift_left3A_1311 : i32 to vector<16xi32>
        %shift_left3A_1313 = arith.shli %shift_left3A_1305, %shift_left3A_1312 : vector<16xi32>
        %shift_right_arithmetic3A_1314 = arith.constant 31 : i32
        %shift_right_arithmetic3A_1315 = vector.broadcast %shift_right_arithmetic3A_1314 : i32 to vector<16xi32>
        %shift_right_arithmetic3A_1316 = arith.shrsi %shift_left3A_1313, %shift_right_arithmetic3A_1315 : vector<16xi32>
        %and3A_1317 = arith.andi %not3A_1286, %shift_right_arithmetic3A_1316 : vector<16xi32>
        %max3A_1318 = arith.maxui %max3A_1145, %and3A_1317 : vector<16xi32>
        %shift_left3A_1319 = arith.constant 1 : i32
        %shift_left3A_1320 = vector.broadcast %shift_left3A_1319 : i32 to vector<16xi32>
        %shift_left3A_1321 = arith.shli %shift_left3A_1313, %shift_left3A_1320 : vector<16xi32>
        %shift_right_arithmetic3A_1322 = arith.constant 31 : i32
        %shift_right_arithmetic3A_1323 = vector.broadcast %shift_right_arithmetic3A_1322 : i32 to vector<16xi32>
        %shift_right_arithmetic3A_1324 = arith.shrsi %shift_left3A_1321, %shift_right_arithmetic3A_1323 : vector<16xi32>
        %and3A_1325 = arith.andi %not3A_1286, %shift_right_arithmetic3A_1324 : vector<16xi32>
        %max3A_1326 = arith.maxui %max3A_1153, %and3A_1325 : vector<16xi32>
        %shift_left3A_1327 = arith.constant 1 : i32
        %shift_left3A_1328 = vector.broadcast %shift_left3A_1327 : i32 to vector<16xi32>
        %shift_left3A_1329 = arith.shli %shift_left3A_1321, %shift_left3A_1328 : vector<16xi32>
        %shift_right_arithmetic3A_1330 = arith.constant 31 : i32
        %shift_right_arithmetic3A_1331 = vector.broadcast %shift_right_arithmetic3A_1330 : i32 to vector<16xi32>
        %shift_right_arithmetic3A_1332 = arith.shrsi %shift_left3A_1329, %shift_right_arithmetic3A_1331 : vector<16xi32>
        %and3A_1333 = arith.andi %not3A_1286, %shift_right_arithmetic3A_1332 : vector<16xi32>
        %max3A_1334 = arith.maxui %max3A_1161, %and3A_1333 : vector<16xi32>
        %shift_left3A_1335 = arith.constant 1 : i32
        %shift_left3A_1336 = vector.broadcast %shift_left3A_1335 : i32 to vector<16xi32>
        %shift_left3A_1337 = arith.shli %shift_left3A_1329, %shift_left3A_1336 : vector<16xi32>
        %shift_right_arithmetic3A_1338 = arith.constant 31 : i32
        %shift_right_arithmetic3A_1339 = vector.broadcast %shift_right_arithmetic3A_1338 : i32 to vector<16xi32>
        %shift_right_arithmetic3A_1340 = arith.shrsi %shift_left3A_1337, %shift_right_arithmetic3A_1339 : vector<16xi32>
        %and3A_1341 = arith.andi %not3A_1286, %shift_right_arithmetic3A_1340 : vector<16xi32>
        %max3A_1342 = arith.maxui %max3A_1169, %and3A_1341 : vector<16xi32>
        %shift_left3A_1343 = arith.constant 1 : i32
        %shift_left3A_1344 = vector.broadcast %shift_left3A_1343 : i32 to vector<16xi32>
        %shift_left3A_1345 = arith.shli %shift_left3A_1337, %shift_left3A_1344 : vector<16xi32>
        %shift_right_arithmetic3A_1346 = arith.constant 31 : i32
        %shift_right_arithmetic3A_1347 = vector.broadcast %shift_right_arithmetic3A_1346 : i32 to vector<16xi32>
        %shift_right_arithmetic3A_1348 = arith.shrsi %shift_left3A_1345, %shift_right_arithmetic3A_1347 : vector<16xi32>
        %and3A_1349 = arith.andi %not3A_1286, %shift_right_arithmetic3A_1348 : vector<16xi32>
        %max3A_1350 = arith.maxui %max3A_1177, %and3A_1349 : vector<16xi32>
        %shift_left3A_1351 = arith.constant 1 : i32
        %shift_left3A_1352 = vector.broadcast %shift_left3A_1351 : i32 to vector<16xi32>
        %shift_left3A_1353 = arith.shli %shift_left3A_1345, %shift_left3A_1352 : vector<16xi32>
        %shift_right_arithmetic3A_1354 = arith.constant 31 : i32
        %shift_right_arithmetic3A_1355 = vector.broadcast %shift_right_arithmetic3A_1354 : i32 to vector<16xi32>
        %shift_right_arithmetic3A_1356 = arith.shrsi %shift_left3A_1353, %shift_right_arithmetic3A_1355 : vector<16xi32>
        %and3A_1357 = arith.andi %not3A_1286, %shift_right_arithmetic3A_1356 : vector<16xi32>
        %max3A_1358 = arith.maxui %max3A_1185, %and3A_1357 : vector<16xi32>
        %shift_left3A_1359 = arith.constant 1 : i32
        %shift_left3A_1360 = vector.broadcast %shift_left3A_1359 : i32 to vector<16xi32>
        %shift_left3A_1361 = arith.shli %shift_left3A_1353, %shift_left3A_1360 : vector<16xi32>
        %shift_right_arithmetic3A_1362 = arith.constant 31 : i32
        %shift_right_arithmetic3A_1363 = vector.broadcast %shift_right_arithmetic3A_1362 : i32 to vector<16xi32>
        %shift_right_arithmetic3A_1364 = arith.shrsi %shift_left3A_1361, %shift_right_arithmetic3A_1363 : vector<16xi32>
        %and3A_1365 = arith.andi %not3A_1286, %shift_right_arithmetic3A_1364 : vector<16xi32>
        %max3A_1366 = arith.maxui %max3A_1193, %and3A_1365 : vector<16xi32>
        %shift_left3A_1367 = arith.constant 1 : i32
        %shift_left3A_1368 = vector.broadcast %shift_left3A_1367 : i32 to vector<16xi32>
        %shift_left3A_1369 = arith.shli %shift_left3A_1361, %shift_left3A_1368 : vector<16xi32>
        %shift_right_arithmetic3A_1370 = arith.constant 31 : i32
        %shift_right_arithmetic3A_1371 = vector.broadcast %shift_right_arithmetic3A_1370 : i32 to vector<16xi32>
        %shift_right_arithmetic3A_1372 = arith.shrsi %shift_left3A_1369, %shift_right_arithmetic3A_1371 : vector<16xi32>
        %and3A_1373 = arith.andi %not3A_1286, %shift_right_arithmetic3A_1372 : vector<16xi32>
        %max3A_1374 = arith.maxui %max3A_1201, %and3A_1373 : vector<16xi32>
        %shift_left3A_1375 = arith.constant 1 : i32
        %shift_left3A_1376 = vector.broadcast %shift_left3A_1375 : i32 to vector<16xi32>
        %shift_left3A_1377 = arith.shli %shift_left3A_1369, %shift_left3A_1376 : vector<16xi32>
        %shift_right_arithmetic3A_1378 = arith.constant 31 : i32
        %shift_right_arithmetic3A_1379 = vector.broadcast %shift_right_arithmetic3A_1378 : i32 to vector<16xi32>
        %shift_right_arithmetic3A_1380 = arith.shrsi %shift_left3A_1377, %shift_right_arithmetic3A_1379 : vector<16xi32>
        %and3A_1381 = arith.andi %not3A_1286, %shift_right_arithmetic3A_1380 : vector<16xi32>
        %max3A_1382 = arith.maxui %max3A_1209, %and3A_1381 : vector<16xi32>
        %shift_left3A_1383 = arith.constant 1 : i32
        %shift_left3A_1384 = vector.broadcast %shift_left3A_1383 : i32 to vector<16xi32>
        %shift_left3A_1385 = arith.shli %shift_left3A_1377, %shift_left3A_1384 : vector<16xi32>
        %shift_right_arithmetic3A_1386 = arith.constant 31 : i32
        %shift_right_arithmetic3A_1387 = vector.broadcast %shift_right_arithmetic3A_1386 : i32 to vector<16xi32>
        %shift_right_arithmetic3A_1388 = arith.shrsi %shift_left3A_1385, %shift_right_arithmetic3A_1387 : vector<16xi32>
        %and3A_1389 = arith.andi %not3A_1286, %shift_right_arithmetic3A_1388 : vector<16xi32>
        %max3A_1390 = arith.maxui %max3A_1217, %and3A_1389 : vector<16xi32>
        %shift_left3A_1391 = arith.constant 1 : i32
        %shift_left3A_1392 = vector.broadcast %shift_left3A_1391 : i32 to vector<16xi32>
        %shift_left3A_1393 = arith.shli %shift_left3A_1385, %shift_left3A_1392 : vector<16xi32>
        %shift_right_arithmetic3A_1394 = arith.constant 31 : i32
        %shift_right_arithmetic3A_1395 = vector.broadcast %shift_right_arithmetic3A_1394 : i32 to vector<16xi32>
        %shift_right_arithmetic3A_1396 = arith.shrsi %shift_left3A_1393, %shift_right_arithmetic3A_1395 : vector<16xi32>
        %and3A_1397 = arith.andi %not3A_1286, %shift_right_arithmetic3A_1396 : vector<16xi32>
        %max3A_1398 = arith.maxui %max3A_1225, %and3A_1397 : vector<16xi32>
        %shift_left3A_1399 = arith.constant 1 : i32
        %shift_left3A_1400 = vector.broadcast %shift_left3A_1399 : i32 to vector<16xi32>
        %shift_left3A_1401 = arith.shli %shift_left3A_1393, %shift_left3A_1400 : vector<16xi32>
        %shift_right_arithmetic3A_1402 = arith.constant 31 : i32
        %shift_right_arithmetic3A_1403 = vector.broadcast %shift_right_arithmetic3A_1402 : i32 to vector<16xi32>
        %shift_right_arithmetic3A_1404 = arith.shrsi %shift_left3A_1401, %shift_right_arithmetic3A_1403 : vector<16xi32>
        %and3A_1405 = arith.andi %not3A_1286, %shift_right_arithmetic3A_1404 : vector<16xi32>
        %max3A_1406 = arith.maxui %max3A_1233, %and3A_1405 : vector<16xi32>
        %shift_left3A_1407 = arith.constant 1 : i32
        %shift_left3A_1408 = vector.broadcast %shift_left3A_1407 : i32 to vector<16xi32>
        %shift_left3A_1409 = arith.shli %shift_left3A_1401, %shift_left3A_1408 : vector<16xi32>
        %shift_right_arithmetic3A_1410 = arith.constant 31 : i32
        %shift_right_arithmetic3A_1411 = vector.broadcast %shift_right_arithmetic3A_1410 : i32 to vector<16xi32>
        %shift_right_arithmetic3A_1412 = arith.shrsi %shift_left3A_1409, %shift_right_arithmetic3A_1411 : vector<16xi32>
        %and3A_1413 = arith.andi %not3A_1286, %shift_right_arithmetic3A_1412 : vector<16xi32>
        %max3A_1414 = arith.maxui %max3A_1241, %and3A_1413 : vector<16xi32>
        scf.yield %max3A_1294, %max3A_1302, %max3A_1310, %max3A_1318, %max3A_1326, %max3A_1334, %max3A_1342, %max3A_1350, %max3A_1358, %max3A_1366, %max3A_1374, %max3A_1382, %max3A_1390, %max3A_1398, %max3A_1406, %max3A_1414 : vector<16xi32>, vector<16xi32>, vector<16xi32>, vector<16xi32>, vector<16xi32>, vector<16xi32>, vector<16xi32>, vector<16xi32>, vector<16xi32>, vector<16xi32>, vector<16xi32>, vector<16xi32>, vector<16xi32>, vector<16xi32>, vector<16xi32>, vector<16xi32>
      }
      %scan3A_62 = arith.constant 32 : i32
      %not3A = arith.constant dense<-1> : vector<16xi32>
      %not3A_63 = arith.xori %scan3A_61#15, %not3A : vector<16xi32>
      %bitcast3A = vector.bitcast %not3A_63 : vector<16xi32> to vector<16xf32>
      %not3A_64 = arith.constant dense<-1> : vector<16xi32>
      %not3A_65 = arith.xori %scan3A_61#14, %not3A_64 : vector<16xi32>
      %bitcast3A_66 = vector.bitcast %not3A_65 : vector<16xi32> to vector<16xf32>
      %not3A_67 = arith.constant dense<-1> : vector<16xi32>
      %not3A_68 = arith.xori %scan3A_61#13, %not3A_67 : vector<16xi32>
      %bitcast3A_69 = vector.bitcast %not3A_68 : vector<16xi32> to vector<16xf32>
      %not3A_70 = arith.constant dense<-1> : vector<16xi32>
      %not3A_71 = arith.xori %scan3A_61#12, %not3A_70 : vector<16xi32>
      %bitcast3A_72 = vector.bitcast %not3A_71 : vector<16xi32> to vector<16xf32>
      %not3A_73 = arith.constant dense<-1> : vector<16xi32>
      %not3A_74 = arith.xori %scan3A_61#11, %not3A_73 : vector<16xi32>
      %bitcast3A_75 = vector.bitcast %not3A_74 : vector<16xi32> to vector<16xf32>
      %not3A_76 = arith.constant dense<-1> : vector<16xi32>
      %not3A_77 = arith.xori %scan3A_61#10, %not3A_76 : vector<16xi32>
      %bitcast3A_78 = vector.bitcast %not3A_77 : vector<16xi32> to vector<16xf32>
      %not3A_79 = arith.constant dense<-1> : vector<16xi32>
      %not3A_80 = arith.xori %scan3A_61#9, %not3A_79 : vector<16xi32>
      %bitcast3A_81 = vector.bitcast %not3A_80 : vector<16xi32> to vector<16xf32>
      %not3A_82 = arith.constant dense<-1> : vector<16xi32>
      %not3A_83 = arith.xori %scan3A_61#8, %not3A_82 : vector<16xi32>
      %bitcast3A_84 = vector.bitcast %not3A_83 : vector<16xi32> to vector<16xf32>
      %not3A_85 = arith.constant dense<-1> : vector<16xi32>
      %not3A_86 = arith.xori %scan3A_61#7, %not3A_85 : vector<16xi32>
      %bitcast3A_87 = vector.bitcast %not3A_86 : vector<16xi32> to vector<16xf32>
      %not3A_88 = arith.constant dense<-1> : vector<16xi32>
      %not3A_89 = arith.xori %scan3A_61#6, %not3A_88 : vector<16xi32>
      %bitcast3A_90 = vector.bitcast %not3A_89 : vector<16xi32> to vector<16xf32>
      %not3A_91 = arith.constant dense<-1> : vector<16xi32>
      %not3A_92 = arith.xori %scan3A_61#5, %not3A_91 : vector<16xi32>
      %bitcast3A_93 = vector.bitcast %not3A_92 : vector<16xi32> to vector<16xf32>
      %not3A_94 = arith.constant dense<-1> : vector<16xi32>
      %not3A_95 = arith.xori %scan3A_61#4, %not3A_94 : vector<16xi32>
      %bitcast3A_96 = vector.bitcast %not3A_95 : vector<16xi32> to vector<16xf32>
      %not3A_97 = arith.constant dense<-1> : vector<16xi32>
      %not3A_98 = arith.xori %scan3A_61#3, %not3A_97 : vector<16xi32>
      %bitcast3A_99 = vector.bitcast %not3A_98 : vector<16xi32> to vector<16xf32>
      %not3A_100 = arith.constant dense<-1> : vector<16xi32>
      %not3A_101 = arith.xori %scan3A_61#2, %not3A_100 : vector<16xi32>
      %bitcast3A_102 = vector.bitcast %not3A_101 : vector<16xi32> to vector<16xf32>
      %not3A_103 = arith.constant dense<-1> : vector<16xi32>
      %not3A_104 = arith.xori %scan3A_61#1, %not3A_103 : vector<16xi32>
      %bitcast3A_105 = vector.bitcast %not3A_104 : vector<16xi32> to vector<16xf32>
      %not3A_106 = arith.constant dense<-1> : vector<16xi32>
      %not3A_107 = arith.xori %scan3A_61#0, %not3A_106 : vector<16xi32>
      %bitcast3A_108 = vector.bitcast %not3A_107 : vector<16xi32> to vector<16xf32>
      %sub3A = arith.subf %bitcast3A, %bitcast3A_87 : vector<16xf32>
      %jit3A = arith.constant -2.000000e+01 : f32
      %jit3A_109 = arith.constant 2.000000e+01 : f32
      %max3A = vector.broadcast %jit3A : f32 to vector<16xf32>
      %max3A_110 = arith.maximumf %max3A, %sub3A : vector<16xf32>
      %min3A = vector.broadcast %jit3A_109 : f32 to vector<16xf32>
      %min3A_111 = arith.minimumf %min3A, %max3A_110 : vector<16xf32>
      %mul3A_112 = arith.constant 512 : i32
      %mul3A_113 = arith.muli %scan3A_49, %mul3A_112 : i32
      %add3A_114 = arith.constant 0 : i32
      %add3A_115 = arith.addi %mul3A_113, %add3A_114 : i32
      %add3A_116 = vector.broadcast %add3A_115 : i32 to vector<16xi32>
      %add3A_117 = arith.addi %mul3A_14, %add3A_116 : vector<16xi32>
      %shift_right_arithmetic3A = arith.constant 7 : i32
      %shift_right_arithmetic3A_118 = vector.broadcast %shift_right_arithmetic3A : i32 to vector<16xi32>
      %shift_right_arithmetic3A_119 = arith.shrsi %add3A_117, %shift_right_arithmetic3A_118 : vector<16xi32>
      %and3A = arith.constant 127 : i32
      %and3A_120 = vector.broadcast %and3A : i32 to vector<16xi32>
      %and3A_121 = arith.andi %add3A_117, %and3A_120 : vector<16xi32>
      tpu.vector_store_idx %arg7[%shift_right_arithmetic3A_119, %and3A_121], %min3A_111 : memref<64x128xf32, #tpu.memory_space<vmem>>[vector<16xi32>, vector<16xi32>], vector<16xf32>,
      %sub3A_122 = arith.subf %bitcast3A, %bitcast3A_75 : vector<16xf32>
      %jit3A_123 = arith.constant -2.000000e+01 : f32
      %jit3A_124 = arith.constant 2.000000e+01 : f32
      %max3A_125 = vector.broadcast %jit3A_123 : f32 to vector<16xf32>
      %max3A_126 = arith.maximumf %max3A_125, %sub3A_122 : vector<16xf32>
      %min3A_127 = vector.broadcast %jit3A_124 : f32 to vector<16xf32>
      %min3A_128 = arith.minimumf %min3A_127, %max3A_126 : vector<16xf32>
      %mul3A_129 = arith.constant 512 : i32
      %mul3A_130 = arith.muli %scan3A_49, %mul3A_129 : i32
      %add3A_131 = arith.constant 1 : i32
      %add3A_132 = arith.addi %mul3A_130, %add3A_131 : i32
      %add3A_133 = vector.broadcast %add3A_132 : i32 to vector<16xi32>
      %add3A_134 = arith.addi %mul3A_14, %add3A_133 : vector<16xi32>
      %shift_right_arithmetic3A_135 = arith.constant 7 : i32
      %shift_right_arithmetic3A_136 = vector.broadcast %shift_right_arithmetic3A_135 : i32 to vector<16xi32>
      %shift_right_arithmetic3A_137 = arith.shrsi %add3A_134, %shift_right_arithmetic3A_136 : vector<16xi32>
      %and3A_138 = arith.constant 127 : i32
      %and3A_139 = vector.broadcast %and3A_138 : i32 to vector<16xi32>
      %and3A_140 = arith.andi %add3A_134, %and3A_139 : vector<16xi32>
      tpu.vector_store_idx %arg7[%shift_right_arithmetic3A_137, %and3A_140], %min3A_128 : memref<64x128xf32, #tpu.memory_space<vmem>>[vector<16xi32>, vector<16xi32>], vector<16xf32>,
      %sub3A_141 = arith.subf %bitcast3A, %bitcast3A_69 : vector<16xf32>
      %jit3A_142 = arith.constant -2.000000e+01 : f32
      %jit3A_143 = arith.constant 2.000000e+01 : f32
      %max3A_144 = vector.broadcast %jit3A_142 : f32 to vector<16xf32>
      %max3A_145 = arith.maximumf %max3A_144, %sub3A_141 : vector<16xf32>
      %min3A_146 = vector.broadcast %jit3A_143 : f32 to vector<16xf32>
      %min3A_147 = arith.minimumf %min3A_146, %max3A_145 : vector<16xf32>
      %mul3A_148 = arith.constant 512 : i32
      %mul3A_149 = arith.muli %scan3A_49, %mul3A_148 : i32
      %add3A_150 = arith.constant 2 : i32
      %add3A_151 = arith.addi %mul3A_149, %add3A_150 : i32
      %add3A_152 = vector.broadcast %add3A_151 : i32 to vector<16xi32>
      %add3A_153 = arith.addi %mul3A_14, %add3A_152 : vector<16xi32>
      %shift_right_arithmetic3A_154 = arith.constant 7 : i32
      %shift_right_arithmetic3A_155 = vector.broadcast %shift_right_arithmetic3A_154 : i32 to vector<16xi32>
      %shift_right_arithmetic3A_156 = arith.shrsi %add3A_153, %shift_right_arithmetic3A_155 : vector<16xi32>
      %and3A_157 = arith.constant 127 : i32
      %and3A_158 = vector.broadcast %and3A_157 : i32 to vector<16xi32>
      %and3A_159 = arith.andi %add3A_153, %and3A_158 : vector<16xi32>
      tpu.vector_store_idx %arg7[%shift_right_arithmetic3A_156, %and3A_159], %min3A_147 : memref<64x128xf32, #tpu.memory_space<vmem>>[vector<16xi32>, vector<16xi32>], vector<16xf32>,
      %sub3A_160 = arith.subf %bitcast3A, %bitcast3A_66 : vector<16xf32>
      %jit3A_161 = arith.constant -2.000000e+01 : f32
      %jit3A_162 = arith.constant 2.000000e+01 : f32
      %max3A_163 = vector.broadcast %jit3A_161 : f32 to vector<16xf32>
      %max3A_164 = arith.maximumf %max3A_163, %sub3A_160 : vector<16xf32>
      %min3A_165 = vector.broadcast %jit3A_162 : f32 to vector<16xf32>
      %min3A_166 = arith.minimumf %min3A_165, %max3A_164 : vector<16xf32>
      %mul3A_167 = arith.constant 512 : i32
      %mul3A_168 = arith.muli %scan3A_49, %mul3A_167 : i32
      %add3A_169 = arith.constant 3 : i32
      %add3A_170 = arith.addi %mul3A_168, %add3A_169 : i32
      %add3A_171 = vector.broadcast %add3A_170 : i32 to vector<16xi32>
      %add3A_172 = arith.addi %mul3A_14, %add3A_171 : vector<16xi32>
      %shift_right_arithmetic3A_173 = arith.constant 7 : i32
      %shift_right_arithmetic3A_174 = vector.broadcast %shift_right_arithmetic3A_173 : i32 to vector<16xi32>
      %shift_right_arithmetic3A_175 = arith.shrsi %add3A_172, %shift_right_arithmetic3A_174 : vector<16xi32>
      %and3A_176 = arith.constant 127 : i32
      %and3A_177 = vector.broadcast %and3A_176 : i32 to vector<16xi32>
      %and3A_178 = arith.andi %add3A_172, %and3A_177 : vector<16xi32>
      tpu.vector_store_idx %arg7[%shift_right_arithmetic3A_175, %and3A_178], %min3A_166 : memref<64x128xf32, #tpu.memory_space<vmem>>[vector<16xi32>, vector<16xi32>], vector<16xf32>,
      %sub3A_179 = arith.subf %bitcast3A_66, %bitcast3A_90 : vector<16xf32>
      %jit3A_180 = arith.constant -2.000000e+01 : f32
      %jit3A_181 = arith.constant 2.000000e+01 : f32
      %max3A_182 = vector.broadcast %jit3A_180 : f32 to vector<16xf32>
      %max3A_183 = arith.maximumf %max3A_182, %sub3A_179 : vector<16xf32>
      %min3A_184 = vector.broadcast %jit3A_181 : f32 to vector<16xf32>
      %min3A_185 = arith.minimumf %min3A_184, %max3A_183 : vector<16xf32>
      %mul3A_186 = arith.constant 512 : i32
      %mul3A_187 = arith.muli %scan3A_49, %mul3A_186 : i32
      %add3A_188 = arith.constant 4 : i32
      %add3A_189 = arith.addi %mul3A_187, %add3A_188 : i32
      %add3A_190 = vector.broadcast %add3A_189 : i32 to vector<16xi32>
      %add3A_191 = arith.addi %mul3A_14, %add3A_190 : vector<16xi32>
      %shift_right_arithmetic3A_192 = arith.constant 7 : i32
      %shift_right_arithmetic3A_193 = vector.broadcast %shift_right_arithmetic3A_192 : i32 to vector<16xi32>
      %shift_right_arithmetic3A_194 = arith.shrsi %add3A_191, %shift_right_arithmetic3A_193 : vector<16xi32>
      %and3A_195 = arith.constant 127 : i32
      %and3A_196 = vector.broadcast %and3A_195 : i32 to vector<16xi32>
      %and3A_197 = arith.andi %add3A_191, %and3A_196 : vector<16xi32>
      tpu.vector_store_idx %arg7[%shift_right_arithmetic3A_194, %and3A_197], %min3A_185 : memref<64x128xf32, #tpu.memory_space<vmem>>[vector<16xi32>, vector<16xi32>], vector<16xf32>,
      %sub3A_198 = arith.subf %bitcast3A_66, %bitcast3A_78 : vector<16xf32>
      %jit3A_199 = arith.constant -2.000000e+01 : f32
      %jit3A_200 = arith.constant 2.000000e+01 : f32
      %max3A_201 = vector.broadcast %jit3A_199 : f32 to vector<16xf32>
      %max3A_202 = arith.maximumf %max3A_201, %sub3A_198 : vector<16xf32>
      %min3A_203 = vector.broadcast %jit3A_200 : f32 to vector<16xf32>
      %min3A_204 = arith.minimumf %min3A_203, %max3A_202 : vector<16xf32>
      %mul3A_205 = arith.constant 512 : i32
      %mul3A_206 = arith.muli %scan3A_49, %mul3A_205 : i32
      %add3A_207 = arith.constant 5 : i32
      %add3A_208 = arith.addi %mul3A_206, %add3A_207 : i32
      %add3A_209 = vector.broadcast %add3A_208 : i32 to vector<16xi32>
      %add3A_210 = arith.addi %mul3A_14, %add3A_209 : vector<16xi32>
      %shift_right_arithmetic3A_211 = arith.constant 7 : i32
      %shift_right_arithmetic3A_212 = vector.broadcast %shift_right_arithmetic3A_211 : i32 to vector<16xi32>
      %shift_right_arithmetic3A_213 = arith.shrsi %add3A_210, %shift_right_arithmetic3A_212 : vector<16xi32>
      %and3A_214 = arith.constant 127 : i32
      %and3A_215 = vector.broadcast %and3A_214 : i32 to vector<16xi32>
      %and3A_216 = arith.andi %add3A_210, %and3A_215 : vector<16xi32>
      tpu.vector_store_idx %arg7[%shift_right_arithmetic3A_213, %and3A_216], %min3A_204 : memref<64x128xf32, #tpu.memory_space<vmem>>[vector<16xi32>, vector<16xi32>], vector<16xf32>,
      %sub3A_217 = arith.subf %bitcast3A_66, %bitcast3A_72 : vector<16xf32>
      %jit3A_218 = arith.constant -2.000000e+01 : f32
      %jit3A_219 = arith.constant 2.000000e+01 : f32
      %max3A_220 = vector.broadcast %jit3A_218 : f32 to vector<16xf32>
      %max3A_221 = arith.maximumf %max3A_220, %sub3A_217 : vector<16xf32>
      %min3A_222 = vector.broadcast %jit3A_219 : f32 to vector<16xf32>
      %min3A_223 = arith.minimumf %min3A_222, %max3A_221 : vector<16xf32>
      %mul3A_224 = arith.constant 512 : i32
      %mul3A_225 = arith.muli %scan3A_49, %mul3A_224 : i32
      %add3A_226 = arith.constant 6 : i32
      %add3A_227 = arith.addi %mul3A_225, %add3A_226 : i32
      %add3A_228 = vector.broadcast %add3A_227 : i32 to vector<16xi32>
      %add3A_229 = arith.addi %mul3A_14, %add3A_228 : vector<16xi32>
      %shift_right_arithmetic3A_230 = arith.constant 7 : i32
      %shift_right_arithmetic3A_231 = vector.broadcast %shift_right_arithmetic3A_230 : i32 to vector<16xi32>
      %shift_right_arithmetic3A_232 = arith.shrsi %add3A_229, %shift_right_arithmetic3A_231 : vector<16xi32>
      %and3A_233 = arith.constant 127 : i32
      %and3A_234 = vector.broadcast %and3A_233 : i32 to vector<16xi32>
      %and3A_235 = arith.andi %add3A_229, %and3A_234 : vector<16xi32>
      tpu.vector_store_idx %arg7[%shift_right_arithmetic3A_232, %and3A_235], %min3A_223 : memref<64x128xf32, #tpu.memory_space<vmem>>[vector<16xi32>, vector<16xi32>], vector<16xf32>,
      %sub3A_236 = arith.subf %bitcast3A_69, %bitcast3A_72 : vector<16xf32>
      %jit3A_237 = arith.constant -2.000000e+01 : f32
      %jit3A_238 = arith.constant 2.000000e+01 : f32
      %max3A_239 = vector.broadcast %jit3A_237 : f32 to vector<16xf32>
      %max3A_240 = arith.maximumf %max3A_239, %sub3A_236 : vector<16xf32>
      %min3A_241 = vector.broadcast %jit3A_238 : f32 to vector<16xf32>
      %min3A_242 = arith.minimumf %min3A_241, %max3A_240 : vector<16xf32>
      %mul3A_243 = arith.constant 512 : i32
      %mul3A_244 = arith.muli %scan3A_49, %mul3A_243 : i32
      %add3A_245 = arith.constant 7 : i32
      %add3A_246 = arith.addi %mul3A_244, %add3A_245 : i32
      %add3A_247 = vector.broadcast %add3A_246 : i32 to vector<16xi32>
      %add3A_248 = arith.addi %mul3A_14, %add3A_247 : vector<16xi32>
      %shift_right_arithmetic3A_249 = arith.constant 7 : i32
      %shift_right_arithmetic3A_250 = vector.broadcast %shift_right_arithmetic3A_249 : i32 to vector<16xi32>
      %shift_right_arithmetic3A_251 = arith.shrsi %add3A_248, %shift_right_arithmetic3A_250 : vector<16xi32>
      %and3A_252 = arith.constant 127 : i32
      %and3A_253 = vector.broadcast %and3A_252 : i32 to vector<16xi32>
      %and3A_254 = arith.andi %add3A_248, %and3A_253 : vector<16xi32>
      tpu.vector_store_idx %arg7[%shift_right_arithmetic3A_251, %and3A_254], %min3A_242 : memref<64x128xf32, #tpu.memory_space<vmem>>[vector<16xi32>, vector<16xi32>], vector<16xf32>,
      %sub3A_255 = arith.subf %bitcast3A_69, %bitcast3A_93 : vector<16xf32>
      %jit3A_256 = arith.constant -2.000000e+01 : f32
      %jit3A_257 = arith.constant 2.000000e+01 : f32
      %max3A_258 = vector.broadcast %jit3A_256 : f32 to vector<16xf32>
      %max3A_259 = arith.maximumf %max3A_258, %sub3A_255 : vector<16xf32>
      %min3A_260 = vector.broadcast %jit3A_257 : f32 to vector<16xf32>
      %min3A_261 = arith.minimumf %min3A_260, %max3A_259 : vector<16xf32>
      %mul3A_262 = arith.constant 512 : i32
      %mul3A_263 = arith.muli %scan3A_49, %mul3A_262 : i32
      %add3A_264 = arith.constant 8 : i32
      %add3A_265 = arith.addi %mul3A_263, %add3A_264 : i32
      %add3A_266 = vector.broadcast %add3A_265 : i32 to vector<16xi32>
      %add3A_267 = arith.addi %mul3A_14, %add3A_266 : vector<16xi32>
      %shift_right_arithmetic3A_268 = arith.constant 7 : i32
      %shift_right_arithmetic3A_269 = vector.broadcast %shift_right_arithmetic3A_268 : i32 to vector<16xi32>
      %shift_right_arithmetic3A_270 = arith.shrsi %add3A_267, %shift_right_arithmetic3A_269 : vector<16xi32>
      %and3A_271 = arith.constant 127 : i32
      %and3A_272 = vector.broadcast %and3A_271 : i32 to vector<16xi32>
      %and3A_273 = arith.andi %add3A_267, %and3A_272 : vector<16xi32>
      tpu.vector_store_idx %arg7[%shift_right_arithmetic3A_270, %and3A_273], %min3A_261 : memref<64x128xf32, #tpu.memory_space<vmem>>[vector<16xi32>, vector<16xi32>], vector<16xf32>,
      %sub3A_274 = arith.subf %bitcast3A_69, %bitcast3A_81 : vector<16xf32>
      %jit3A_275 = arith.constant -2.000000e+01 : f32
      %jit3A_276 = arith.constant 2.000000e+01 : f32
      %max3A_277 = vector.broadcast %jit3A_275 : f32 to vector<16xf32>
      %max3A_278 = arith.maximumf %max3A_277, %sub3A_274 : vector<16xf32>
      %min3A_279 = vector.broadcast %jit3A_276 : f32 to vector<16xf32>
      %min3A_280 = arith.minimumf %min3A_279, %max3A_278 : vector<16xf32>
      %mul3A_281 = arith.constant 512 : i32
      %mul3A_282 = arith.muli %scan3A_49, %mul3A_281 : i32
      %add3A_283 = arith.constant 9 : i32
      %add3A_284 = arith.addi %mul3A_282, %add3A_283 : i32
      %add3A_285 = vector.broadcast %add3A_284 : i32 to vector<16xi32>
      %add3A_286 = arith.addi %mul3A_14, %add3A_285 : vector<16xi32>
      %shift_right_arithmetic3A_287 = arith.constant 7 : i32
      %shift_right_arithmetic3A_288 = vector.broadcast %shift_right_arithmetic3A_287 : i32 to vector<16xi32>
      %shift_right_arithmetic3A_289 = arith.shrsi %add3A_286, %shift_right_arithmetic3A_288 : vector<16xi32>
      %and3A_290 = arith.constant 127 : i32
      %and3A_291 = vector.broadcast %and3A_290 : i32 to vector<16xi32>
      %and3A_292 = arith.andi %add3A_286, %and3A_291 : vector<16xi32>
      tpu.vector_store_idx %arg7[%shift_right_arithmetic3A_289, %and3A_292], %min3A_280 : memref<64x128xf32, #tpu.memory_space<vmem>>[vector<16xi32>, vector<16xi32>], vector<16xf32>,
      %sub3A_293 = arith.subf %bitcast3A_75, %bitcast3A_81 : vector<16xf32>
      %jit3A_294 = arith.constant -2.000000e+01 : f32
      %jit3A_295 = arith.constant 2.000000e+01 : f32
      %max3A_296 = vector.broadcast %jit3A_294 : f32 to vector<16xf32>
      %max3A_297 = arith.maximumf %max3A_296, %sub3A_293 : vector<16xf32>
      %min3A_298 = vector.broadcast %jit3A_295 : f32 to vector<16xf32>
      %min3A_299 = arith.minimumf %min3A_298, %max3A_297 : vector<16xf32>
      %mul3A_300 = arith.constant 512 : i32
      %mul3A_301 = arith.muli %scan3A_49, %mul3A_300 : i32
      %add3A_302 = arith.constant 10 : i32
      %add3A_303 = arith.addi %mul3A_301, %add3A_302 : i32
      %add3A_304 = vector.broadcast %add3A_303 : i32 to vector<16xi32>
      %add3A_305 = arith.addi %mul3A_14, %add3A_304 : vector<16xi32>
      %shift_right_arithmetic3A_306 = arith.constant 7 : i32
      %shift_right_arithmetic3A_307 = vector.broadcast %shift_right_arithmetic3A_306 : i32 to vector<16xi32>
      %shift_right_arithmetic3A_308 = arith.shrsi %add3A_305, %shift_right_arithmetic3A_307 : vector<16xi32>
      %and3A_309 = arith.constant 127 : i32
      %and3A_310 = vector.broadcast %and3A_309 : i32 to vector<16xi32>
      %and3A_311 = arith.andi %add3A_305, %and3A_310 : vector<16xi32>
      tpu.vector_store_idx %arg7[%shift_right_arithmetic3A_308, %and3A_311], %min3A_299 : memref<64x128xf32, #tpu.memory_space<vmem>>[vector<16xi32>, vector<16xi32>], vector<16xf32>,
      %sub3A_312 = arith.subf %bitcast3A_75, %bitcast3A_78 : vector<16xf32>
      %jit3A_313 = arith.constant -2.000000e+01 : f32
      %jit3A_314 = arith.constant 2.000000e+01 : f32
      %max3A_315 = vector.broadcast %jit3A_313 : f32 to vector<16xf32>
      %max3A_316 = arith.maximumf %max3A_315, %sub3A_312 : vector<16xf32>
      %min3A_317 = vector.broadcast %jit3A_314 : f32 to vector<16xf32>
      %min3A_318 = arith.minimumf %min3A_317, %max3A_316 : vector<16xf32>
      %mul3A_319 = arith.constant 512 : i32
      %mul3A_320 = arith.muli %scan3A_49, %mul3A_319 : i32
      %add3A_321 = arith.constant 11 : i32
      %add3A_322 = arith.addi %mul3A_320, %add3A_321 : i32
      %add3A_323 = vector.broadcast %add3A_322 : i32 to vector<16xi32>
      %add3A_324 = arith.addi %mul3A_14, %add3A_323 : vector<16xi32>
      %shift_right_arithmetic3A_325 = arith.constant 7 : i32
      %shift_right_arithmetic3A_326 = vector.broadcast %shift_right_arithmetic3A_325 : i32 to vector<16xi32>
      %shift_right_arithmetic3A_327 = arith.shrsi %add3A_324, %shift_right_arithmetic3A_326 : vector<16xi32>
      %and3A_328 = arith.constant 127 : i32
      %and3A_329 = vector.broadcast %and3A_328 : i32 to vector<16xi32>
      %and3A_330 = arith.andi %add3A_324, %and3A_329 : vector<16xi32>
      tpu.vector_store_idx %arg7[%shift_right_arithmetic3A_327, %and3A_330], %min3A_318 : memref<64x128xf32, #tpu.memory_space<vmem>>[vector<16xi32>, vector<16xi32>], vector<16xf32>,
      %sub3A_331 = arith.subf %bitcast3A_72, %bitcast3A_96 : vector<16xf32>
      %jit3A_332 = arith.constant -2.000000e+01 : f32
      %jit3A_333 = arith.constant 2.000000e+01 : f32
      %max3A_334 = vector.broadcast %jit3A_332 : f32 to vector<16xf32>
      %max3A_335 = arith.maximumf %max3A_334, %sub3A_331 : vector<16xf32>
      %min3A_336 = vector.broadcast %jit3A_333 : f32 to vector<16xf32>
      %min3A_337 = arith.minimumf %min3A_336, %max3A_335 : vector<16xf32>
      %mul3A_338 = arith.constant 512 : i32
      %mul3A_339 = arith.muli %scan3A_49, %mul3A_338 : i32
      %add3A_340 = arith.constant 12 : i32
      %add3A_341 = arith.addi %mul3A_339, %add3A_340 : i32
      %add3A_342 = vector.broadcast %add3A_341 : i32 to vector<16xi32>
      %add3A_343 = arith.addi %mul3A_14, %add3A_342 : vector<16xi32>
      %shift_right_arithmetic3A_344 = arith.constant 7 : i32
      %shift_right_arithmetic3A_345 = vector.broadcast %shift_right_arithmetic3A_344 : i32 to vector<16xi32>
      %shift_right_arithmetic3A_346 = arith.shrsi %add3A_343, %shift_right_arithmetic3A_345 : vector<16xi32>
      %and3A_347 = arith.constant 127 : i32
      %and3A_348 = vector.broadcast %and3A_347 : i32 to vector<16xi32>
      %and3A_349 = arith.andi %add3A_343, %and3A_348 : vector<16xi32>
      tpu.vector_store_idx %arg7[%shift_right_arithmetic3A_346, %and3A_349], %min3A_337 : memref<64x128xf32, #tpu.memory_space<vmem>>[vector<16xi32>, vector<16xi32>], vector<16xf32>,
      %sub3A_350 = arith.subf %bitcast3A_72, %bitcast3A_84 : vector<16xf32>
      %jit3A_351 = arith.constant -2.000000e+01 : f32
      %jit3A_352 = arith.constant 2.000000e+01 : f32
      %max3A_353 = vector.broadcast %jit3A_351 : f32 to vector<16xf32>
      %max3A_354 = arith.maximumf %max3A_353, %sub3A_350 : vector<16xf32>
      %min3A_355 = vector.broadcast %jit3A_352 : f32 to vector<16xf32>
      %min3A_356 = arith.minimumf %min3A_355, %max3A_354 : vector<16xf32>
      %mul3A_357 = arith.constant 512 : i32
      %mul3A_358 = arith.muli %scan3A_49, %mul3A_357 : i32
      %add3A_359 = arith.constant 13 : i32
      %add3A_360 = arith.addi %mul3A_358, %add3A_359 : i32
      %add3A_361 = vector.broadcast %add3A_360 : i32 to vector<16xi32>
      %add3A_362 = arith.addi %mul3A_14, %add3A_361 : vector<16xi32>
      %shift_right_arithmetic3A_363 = arith.constant 7 : i32
      %shift_right_arithmetic3A_364 = vector.broadcast %shift_right_arithmetic3A_363 : i32 to vector<16xi32>
      %shift_right_arithmetic3A_365 = arith.shrsi %add3A_362, %shift_right_arithmetic3A_364 : vector<16xi32>
      %and3A_366 = arith.constant 127 : i32
      %and3A_367 = vector.broadcast %and3A_366 : i32 to vector<16xi32>
      %and3A_368 = arith.andi %add3A_362, %and3A_367 : vector<16xi32>
      tpu.vector_store_idx %arg7[%shift_right_arithmetic3A_365, %and3A_368], %min3A_356 : memref<64x128xf32, #tpu.memory_space<vmem>>[vector<16xi32>, vector<16xi32>], vector<16xf32>,
      %sub3A_369 = arith.subf %bitcast3A_78, %bitcast3A_84 : vector<16xf32>
      %jit3A_370 = arith.constant -2.000000e+01 : f32
      %jit3A_371 = arith.constant 2.000000e+01 : f32
      %max3A_372 = vector.broadcast %jit3A_370 : f32 to vector<16xf32>
      %max3A_373 = arith.maximumf %max3A_372, %sub3A_369 : vector<16xf32>
      %min3A_374 = vector.broadcast %jit3A_371 : f32 to vector<16xf32>
      %min3A_375 = arith.minimumf %min3A_374, %max3A_373 : vector<16xf32>
      %mul3A_376 = arith.constant 512 : i32
      %mul3A_377 = arith.muli %scan3A_49, %mul3A_376 : i32
      %add3A_378 = arith.constant 14 : i32
      %add3A_379 = arith.addi %mul3A_377, %add3A_378 : i32
      %add3A_380 = vector.broadcast %add3A_379 : i32 to vector<16xi32>
      %add3A_381 = arith.addi %mul3A_14, %add3A_380 : vector<16xi32>
      %shift_right_arithmetic3A_382 = arith.constant 7 : i32
      %shift_right_arithmetic3A_383 = vector.broadcast %shift_right_arithmetic3A_382 : i32 to vector<16xi32>
      %shift_right_arithmetic3A_384 = arith.shrsi %add3A_381, %shift_right_arithmetic3A_383 : vector<16xi32>
      %and3A_385 = arith.constant 127 : i32
      %and3A_386 = vector.broadcast %and3A_385 : i32 to vector<16xi32>
      %and3A_387 = arith.andi %add3A_381, %and3A_386 : vector<16xi32>
      tpu.vector_store_idx %arg7[%shift_right_arithmetic3A_384, %and3A_387], %min3A_375 : memref<64x128xf32, #tpu.memory_space<vmem>>[vector<16xi32>, vector<16xi32>], vector<16xf32>,
      %sub3A_388 = arith.subf %bitcast3A_81, %bitcast3A_84 : vector<16xf32>
      %jit3A_389 = arith.constant -2.000000e+01 : f32
      %jit3A_390 = arith.constant 2.000000e+01 : f32
      %max3A_391 = vector.broadcast %jit3A_389 : f32 to vector<16xf32>
      %max3A_392 = arith.maximumf %max3A_391, %sub3A_388 : vector<16xf32>
      %min3A_393 = vector.broadcast %jit3A_390 : f32 to vector<16xf32>
      %min3A_394 = arith.minimumf %min3A_393, %max3A_392 : vector<16xf32>
      %mul3A_395 = arith.constant 512 : i32
      %mul3A_396 = arith.muli %scan3A_49, %mul3A_395 : i32
      %add3A_397 = arith.constant 15 : i32
      %add3A_398 = arith.addi %mul3A_396, %add3A_397 : i32
      %add3A_399 = vector.broadcast %add3A_398 : i32 to vector<16xi32>
      %add3A_400 = arith.addi %mul3A_14, %add3A_399 : vector<16xi32>
      %shift_right_arithmetic3A_401 = arith.constant 7 : i32
      %shift_right_arithmetic3A_402 = vector.broadcast %shift_right_arithmetic3A_401 : i32 to vector<16xi32>
      %shift_right_arithmetic3A_403 = arith.shrsi %add3A_400, %shift_right_arithmetic3A_402 : vector<16xi32>
      %and3A_404 = arith.constant 127 : i32
      %and3A_405 = vector.broadcast %and3A_404 : i32 to vector<16xi32>
      %and3A_406 = arith.andi %add3A_400, %and3A_405 : vector<16xi32>
      tpu.vector_store_idx %arg7[%shift_right_arithmetic3A_403, %and3A_406], %min3A_394 : memref<64x128xf32, #tpu.memory_space<vmem>>[vector<16xi32>, vector<16xi32>], vector<16xf32>,
      %sub3A_407 = arith.subf %bitcast3A_75, %bitcast3A_99 : vector<16xf32>
      %jit3A_408 = arith.constant -2.000000e+01 : f32
      %jit3A_409 = arith.constant 2.000000e+01 : f32
      %max3A_410 = vector.broadcast %jit3A_408 : f32 to vector<16xf32>
      %max3A_411 = arith.maximumf %max3A_410, %sub3A_407 : vector<16xf32>
      %min3A_412 = vector.broadcast %jit3A_409 : f32 to vector<16xf32>
      %min3A_413 = arith.minimumf %min3A_412, %max3A_411 : vector<16xf32>
      %mul3A_414 = arith.constant 512 : i32
      %mul3A_415 = arith.muli %scan3A_49, %mul3A_414 : i32
      %add3A_416 = arith.constant 16 : i32
      %add3A_417 = arith.addi %mul3A_415, %add3A_416 : i32
      %add3A_418 = vector.broadcast %add3A_417 : i32 to vector<16xi32>
      %add3A_419 = arith.addi %mul3A_14, %add3A_418 : vector<16xi32>
      %shift_right_arithmetic3A_420 = arith.constant 7 : i32
      %shift_right_arithmetic3A_421 = vector.broadcast %shift_right_arithmetic3A_420 : i32 to vector<16xi32>
      %shift_right_arithmetic3A_422 = arith.shrsi %add3A_419, %shift_right_arithmetic3A_421 : vector<16xi32>
      %and3A_423 = arith.constant 127 : i32
      %and3A_424 = vector.broadcast %and3A_423 : i32 to vector<16xi32>
      %and3A_425 = arith.andi %add3A_419, %and3A_424 : vector<16xi32>
      tpu.vector_store_idx %arg7[%shift_right_arithmetic3A_422, %and3A_425], %min3A_413 : memref<64x128xf32, #tpu.memory_space<vmem>>[vector<16xi32>, vector<16xi32>], vector<16xf32>,
      %sub3A_426 = arith.subf %bitcast3A_87, %bitcast3A_99 : vector<16xf32>
      %jit3A_427 = arith.constant -2.000000e+01 : f32
      %jit3A_428 = arith.constant 2.000000e+01 : f32
      %max3A_429 = vector.broadcast %jit3A_427 : f32 to vector<16xf32>
      %max3A_430 = arith.maximumf %max3A_429, %sub3A_426 : vector<16xf32>
      %min3A_431 = vector.broadcast %jit3A_428 : f32 to vector<16xf32>
      %min3A_432 = arith.minimumf %min3A_431, %max3A_430 : vector<16xf32>
      %mul3A_433 = arith.constant 512 : i32
      %mul3A_434 = arith.muli %scan3A_49, %mul3A_433 : i32
      %add3A_435 = arith.constant 17 : i32
      %add3A_436 = arith.addi %mul3A_434, %add3A_435 : i32
      %add3A_437 = vector.broadcast %add3A_436 : i32 to vector<16xi32>
      %add3A_438 = arith.addi %mul3A_14, %add3A_437 : vector<16xi32>
      %shift_right_arithmetic3A_439 = arith.constant 7 : i32
      %shift_right_arithmetic3A_440 = vector.broadcast %shift_right_arithmetic3A_439 : i32 to vector<16xi32>
      %shift_right_arithmetic3A_441 = arith.shrsi %add3A_438, %shift_right_arithmetic3A_440 : vector<16xi32>
      %and3A_442 = arith.constant 127 : i32
      %and3A_443 = vector.broadcast %and3A_442 : i32 to vector<16xi32>
      %and3A_444 = arith.andi %add3A_438, %and3A_443 : vector<16xi32>
      tpu.vector_store_idx %arg7[%shift_right_arithmetic3A_441, %and3A_444], %min3A_432 : memref<64x128xf32, #tpu.memory_space<vmem>>[vector<16xi32>, vector<16xi32>], vector<16xf32>,
      %sub3A_445 = arith.subf %bitcast3A_87, %bitcast3A_93 : vector<16xf32>
      %jit3A_446 = arith.constant -2.000000e+01 : f32
      %jit3A_447 = arith.constant 2.000000e+01 : f32
      %max3A_448 = vector.broadcast %jit3A_446 : f32 to vector<16xf32>
      %max3A_449 = arith.maximumf %max3A_448, %sub3A_445 : vector<16xf32>
      %min3A_450 = vector.broadcast %jit3A_447 : f32 to vector<16xf32>
      %min3A_451 = arith.minimumf %min3A_450, %max3A_449 : vector<16xf32>
      %mul3A_452 = arith.constant 512 : i32
      %mul3A_453 = arith.muli %scan3A_49, %mul3A_452 : i32
      %add3A_454 = arith.constant 18 : i32
      %add3A_455 = arith.addi %mul3A_453, %add3A_454 : i32
      %add3A_456 = vector.broadcast %add3A_455 : i32 to vector<16xi32>
      %add3A_457 = arith.addi %mul3A_14, %add3A_456 : vector<16xi32>
      %shift_right_arithmetic3A_458 = arith.constant 7 : i32
      %shift_right_arithmetic3A_459 = vector.broadcast %shift_right_arithmetic3A_458 : i32 to vector<16xi32>
      %shift_right_arithmetic3A_460 = arith.shrsi %add3A_457, %shift_right_arithmetic3A_459 : vector<16xi32>
      %and3A_461 = arith.constant 127 : i32
      %and3A_462 = vector.broadcast %and3A_461 : i32 to vector<16xi32>
      %and3A_463 = arith.andi %add3A_457, %and3A_462 : vector<16xi32>
      tpu.vector_store_idx %arg7[%shift_right_arithmetic3A_460, %and3A_463], %min3A_451 : memref<64x128xf32, #tpu.memory_space<vmem>>[vector<16xi32>, vector<16xi32>], vector<16xf32>,
      %sub3A_464 = arith.subf %bitcast3A_87, %bitcast3A_90 : vector<16xf32>
      %jit3A_465 = arith.constant -2.000000e+01 : f32
      %jit3A_466 = arith.constant 2.000000e+01 : f32
      %max3A_467 = vector.broadcast %jit3A_465 : f32 to vector<16xf32>
      %max3A_468 = arith.maximumf %max3A_467, %sub3A_464 : vector<16xf32>
      %min3A_469 = vector.broadcast %jit3A_466 : f32 to vector<16xf32>
      %min3A_470 = arith.minimumf %min3A_469, %max3A_468 : vector<16xf32>
      %mul3A_471 = arith.constant 512 : i32
      %mul3A_472 = arith.muli %scan3A_49, %mul3A_471 : i32
      %add3A_473 = arith.constant 19 : i32
      %add3A_474 = arith.addi %mul3A_472, %add3A_473 : i32
      %add3A_475 = vector.broadcast %add3A_474 : i32 to vector<16xi32>
      %add3A_476 = arith.addi %mul3A_14, %add3A_475 : vector<16xi32>
      %shift_right_arithmetic3A_477 = arith.constant 7 : i32
      %shift_right_arithmetic3A_478 = vector.broadcast %shift_right_arithmetic3A_477 : i32 to vector<16xi32>
      %shift_right_arithmetic3A_479 = arith.shrsi %add3A_476, %shift_right_arithmetic3A_478 : vector<16xi32>
      %and3A_480 = arith.constant 127 : i32
      %and3A_481 = vector.broadcast %and3A_480 : i32 to vector<16xi32>
      %and3A_482 = arith.andi %add3A_476, %and3A_481 : vector<16xi32>
      tpu.vector_store_idx %arg7[%shift_right_arithmetic3A_479, %and3A_482], %min3A_470 : memref<64x128xf32, #tpu.memory_space<vmem>>[vector<16xi32>, vector<16xi32>], vector<16xf32>,
      %sub3A_483 = arith.subf %bitcast3A_78, %bitcast3A_102 : vector<16xf32>
      %jit3A_484 = arith.constant -2.000000e+01 : f32
      %jit3A_485 = arith.constant 2.000000e+01 : f32
      %max3A_486 = vector.broadcast %jit3A_484 : f32 to vector<16xf32>
      %max3A_487 = arith.maximumf %max3A_486, %sub3A_483 : vector<16xf32>
      %min3A_488 = vector.broadcast %jit3A_485 : f32 to vector<16xf32>
      %min3A_489 = arith.minimumf %min3A_488, %max3A_487 : vector<16xf32>
      %mul3A_490 = arith.constant 512 : i32
      %mul3A_491 = arith.muli %scan3A_49, %mul3A_490 : i32
      %add3A_492 = arith.constant 20 : i32
      %add3A_493 = arith.addi %mul3A_491, %add3A_492 : i32
      %add3A_494 = vector.broadcast %add3A_493 : i32 to vector<16xi32>
      %add3A_495 = arith.addi %mul3A_14, %add3A_494 : vector<16xi32>
      %shift_right_arithmetic3A_496 = arith.constant 7 : i32
      %shift_right_arithmetic3A_497 = vector.broadcast %shift_right_arithmetic3A_496 : i32 to vector<16xi32>
      %shift_right_arithmetic3A_498 = arith.shrsi %add3A_495, %shift_right_arithmetic3A_497 : vector<16xi32>
      %and3A_499 = arith.constant 127 : i32
      %and3A_500 = vector.broadcast %and3A_499 : i32 to vector<16xi32>
      %and3A_501 = arith.andi %add3A_495, %and3A_500 : vector<16xi32>
      tpu.vector_store_idx %arg7[%shift_right_arithmetic3A_498, %and3A_501], %min3A_489 : memref<64x128xf32, #tpu.memory_space<vmem>>[vector<16xi32>, vector<16xi32>], vector<16xf32>,
      %sub3A_502 = arith.subf %bitcast3A_90, %bitcast3A_102 : vector<16xf32>
      %jit3A_503 = arith.constant -2.000000e+01 : f32
      %jit3A_504 = arith.constant 2.000000e+01 : f32
      %max3A_505 = vector.broadcast %jit3A_503 : f32 to vector<16xf32>
      %max3A_506 = arith.maximumf %max3A_505, %sub3A_502 : vector<16xf32>
      %min3A_507 = vector.broadcast %jit3A_504 : f32 to vector<16xf32>
      %min3A_508 = arith.minimumf %min3A_507, %max3A_506 : vector<16xf32>
      %mul3A_509 = arith.constant 512 : i32
      %mul3A_510 = arith.muli %scan3A_49, %mul3A_509 : i32
      %add3A_511 = arith.constant 21 : i32
      %add3A_512 = arith.addi %mul3A_510, %add3A_511 : i32
      %add3A_513 = vector.broadcast %add3A_512 : i32 to vector<16xi32>
      %add3A_514 = arith.addi %mul3A_14, %add3A_513 : vector<16xi32>
      %shift_right_arithmetic3A_515 = arith.constant 7 : i32
      %shift_right_arithmetic3A_516 = vector.broadcast %shift_right_arithmetic3A_515 : i32 to vector<16xi32>
      %shift_right_arithmetic3A_517 = arith.shrsi %add3A_514, %shift_right_arithmetic3A_516 : vector<16xi32>
      %and3A_518 = arith.constant 127 : i32
      %and3A_519 = vector.broadcast %and3A_518 : i32 to vector<16xi32>
      %and3A_520 = arith.andi %add3A_514, %and3A_519 : vector<16xi32>
      tpu.vector_store_idx %arg7[%shift_right_arithmetic3A_517, %and3A_520], %min3A_508 : memref<64x128xf32, #tpu.memory_space<vmem>>[vector<16xi32>, vector<16xi32>], vector<16xf32>,
      %sub3A_521 = arith.subf %bitcast3A_90, %bitcast3A_96 : vector<16xf32>
      %jit3A_522 = arith.constant -2.000000e+01 : f32
      %jit3A_523 = arith.constant 2.000000e+01 : f32
      %max3A_524 = vector.broadcast %jit3A_522 : f32 to vector<16xf32>
      %max3A_525 = arith.maximumf %max3A_524, %sub3A_521 : vector<16xf32>
      %min3A_526 = vector.broadcast %jit3A_523 : f32 to vector<16xf32>
      %min3A_527 = arith.minimumf %min3A_526, %max3A_525 : vector<16xf32>
      %mul3A_528 = arith.constant 512 : i32
      %mul3A_529 = arith.muli %scan3A_49, %mul3A_528 : i32
      %add3A_530 = arith.constant 22 : i32
      %add3A_531 = arith.addi %mul3A_529, %add3A_530 : i32
      %add3A_532 = vector.broadcast %add3A_531 : i32 to vector<16xi32>
      %add3A_533 = arith.addi %mul3A_14, %add3A_532 : vector<16xi32>
      %shift_right_arithmetic3A_534 = arith.constant 7 : i32
      %shift_right_arithmetic3A_535 = vector.broadcast %shift_right_arithmetic3A_534 : i32 to vector<16xi32>
      %shift_right_arithmetic3A_536 = arith.shrsi %add3A_533, %shift_right_arithmetic3A_535 : vector<16xi32>
      %and3A_537 = arith.constant 127 : i32
      %and3A_538 = vector.broadcast %and3A_537 : i32 to vector<16xi32>
      %and3A_539 = arith.andi %add3A_533, %and3A_538 : vector<16xi32>
      tpu.vector_store_idx %arg7[%shift_right_arithmetic3A_536, %and3A_539], %min3A_527 : memref<64x128xf32, #tpu.memory_space<vmem>>[vector<16xi32>, vector<16xi32>], vector<16xf32>,
      %sub3A_540 = arith.subf %bitcast3A_93, %bitcast3A_96 : vector<16xf32>
      %jit3A_541 = arith.constant -2.000000e+01 : f32
      %jit3A_542 = arith.constant 2.000000e+01 : f32
      %max3A_543 = vector.broadcast %jit3A_541 : f32 to vector<16xf32>
      %max3A_544 = arith.maximumf %max3A_543, %sub3A_540 : vector<16xf32>
      %min3A_545 = vector.broadcast %jit3A_542 : f32 to vector<16xf32>
      %min3A_546 = arith.minimumf %min3A_545, %max3A_544 : vector<16xf32>
      %mul3A_547 = arith.constant 512 : i32
      %mul3A_548 = arith.muli %scan3A_49, %mul3A_547 : i32
      %add3A_549 = arith.constant 23 : i32
      %add3A_550 = arith.addi %mul3A_548, %add3A_549 : i32
      %add3A_551 = vector.broadcast %add3A_550 : i32 to vector<16xi32>
      %add3A_552 = arith.addi %mul3A_14, %add3A_551 : vector<16xi32>
      %shift_right_arithmetic3A_553 = arith.constant 7 : i32
      %shift_right_arithmetic3A_554 = vector.broadcast %shift_right_arithmetic3A_553 : i32 to vector<16xi32>
      %shift_right_arithmetic3A_555 = arith.shrsi %add3A_552, %shift_right_arithmetic3A_554 : vector<16xi32>
      %and3A_556 = arith.constant 127 : i32
      %and3A_557 = vector.broadcast %and3A_556 : i32 to vector<16xi32>
      %and3A_558 = arith.andi %add3A_552, %and3A_557 : vector<16xi32>
      tpu.vector_store_idx %arg7[%shift_right_arithmetic3A_555, %and3A_558], %min3A_546 : memref<64x128xf32, #tpu.memory_space<vmem>>[vector<16xi32>, vector<16xi32>], vector<16xf32>,
      %sub3A_559 = arith.subf %bitcast3A_81, %bitcast3A_105 : vector<16xf32>
      %jit3A_560 = arith.constant -2.000000e+01 : f32
      %jit3A_561 = arith.constant 2.000000e+01 : f32
      %max3A_562 = vector.broadcast %jit3A_560 : f32 to vector<16xf32>
      %max3A_563 = arith.maximumf %max3A_562, %sub3A_559 : vector<16xf32>
      %min3A_564 = vector.broadcast %jit3A_561 : f32 to vector<16xf32>
      %min3A_565 = arith.minimumf %min3A_564, %max3A_563 : vector<16xf32>
      %mul3A_566 = arith.constant 512 : i32
      %mul3A_567 = arith.muli %scan3A_49, %mul3A_566 : i32
      %add3A_568 = arith.constant 24 : i32
      %add3A_569 = arith.addi %mul3A_567, %add3A_568 : i32
      %add3A_570 = vector.broadcast %add3A_569 : i32 to vector<16xi32>
      %add3A_571 = arith.addi %mul3A_14, %add3A_570 : vector<16xi32>
      %shift_right_arithmetic3A_572 = arith.constant 7 : i32
      %shift_right_arithmetic3A_573 = vector.broadcast %shift_right_arithmetic3A_572 : i32 to vector<16xi32>
      %shift_right_arithmetic3A_574 = arith.shrsi %add3A_571, %shift_right_arithmetic3A_573 : vector<16xi32>
      %and3A_575 = arith.constant 127 : i32
      %and3A_576 = vector.broadcast %and3A_575 : i32 to vector<16xi32>
      %and3A_577 = arith.andi %add3A_571, %and3A_576 : vector<16xi32>
      tpu.vector_store_idx %arg7[%shift_right_arithmetic3A_574, %and3A_577], %min3A_565 : memref<64x128xf32, #tpu.memory_space<vmem>>[vector<16xi32>, vector<16xi32>], vector<16xf32>,
      %sub3A_578 = arith.subf %bitcast3A_93, %bitcast3A_105 : vector<16xf32>
      %jit3A_579 = arith.constant -2.000000e+01 : f32
      %jit3A_580 = arith.constant 2.000000e+01 : f32
      %max3A_581 = vector.broadcast %jit3A_579 : f32 to vector<16xf32>
      %max3A_582 = arith.maximumf %max3A_581, %sub3A_578 : vector<16xf32>
      %min3A_583 = vector.broadcast %jit3A_580 : f32 to vector<16xf32>
      %min3A_584 = arith.minimumf %min3A_583, %max3A_582 : vector<16xf32>
      %mul3A_585 = arith.constant 512 : i32
      %mul3A_586 = arith.muli %scan3A_49, %mul3A_585 : i32
      %add3A_587 = arith.constant 25 : i32
      %add3A_588 = arith.addi %mul3A_586, %add3A_587 : i32
      %add3A_589 = vector.broadcast %add3A_588 : i32 to vector<16xi32>
      %add3A_590 = arith.addi %mul3A_14, %add3A_589 : vector<16xi32>
      %shift_right_arithmetic3A_591 = arith.constant 7 : i32
      %shift_right_arithmetic3A_592 = vector.broadcast %shift_right_arithmetic3A_591 : i32 to vector<16xi32>
      %shift_right_arithmetic3A_593 = arith.shrsi %add3A_590, %shift_right_arithmetic3A_592 : vector<16xi32>
      %and3A_594 = arith.constant 127 : i32
      %and3A_595 = vector.broadcast %and3A_594 : i32 to vector<16xi32>
      %and3A_596 = arith.andi %add3A_590, %and3A_595 : vector<16xi32>
      tpu.vector_store_idx %arg7[%shift_right_arithmetic3A_593, %and3A_596], %min3A_584 : memref<64x128xf32, #tpu.memory_space<vmem>>[vector<16xi32>, vector<16xi32>], vector<16xf32>,
      %sub3A_597 = arith.subf %bitcast3A_99, %bitcast3A_105 : vector<16xf32>
      %jit3A_598 = arith.constant -2.000000e+01 : f32
      %jit3A_599 = arith.constant 2.000000e+01 : f32
      %max3A_600 = vector.broadcast %jit3A_598 : f32 to vector<16xf32>
      %max3A_601 = arith.maximumf %max3A_600, %sub3A_597 : vector<16xf32>
      %min3A_602 = vector.broadcast %jit3A_599 : f32 to vector<16xf32>
      %min3A_603 = arith.minimumf %min3A_602, %max3A_601 : vector<16xf32>
      %mul3A_604 = arith.constant 512 : i32
      %mul3A_605 = arith.muli %scan3A_49, %mul3A_604 : i32
      %add3A_606 = arith.constant 26 : i32
      %add3A_607 = arith.addi %mul3A_605, %add3A_606 : i32
      %add3A_608 = vector.broadcast %add3A_607 : i32 to vector<16xi32>
      %add3A_609 = arith.addi %mul3A_14, %add3A_608 : vector<16xi32>
      %shift_right_arithmetic3A_610 = arith.constant 7 : i32
      %shift_right_arithmetic3A_611 = vector.broadcast %shift_right_arithmetic3A_610 : i32 to vector<16xi32>
      %shift_right_arithmetic3A_612 = arith.shrsi %add3A_609, %shift_right_arithmetic3A_611 : vector<16xi32>
      %and3A_613 = arith.constant 127 : i32
      %and3A_614 = vector.broadcast %and3A_613 : i32 to vector<16xi32>
      %and3A_615 = arith.andi %add3A_609, %and3A_614 : vector<16xi32>
      tpu.vector_store_idx %arg7[%shift_right_arithmetic3A_612, %and3A_615], %min3A_603 : memref<64x128xf32, #tpu.memory_space<vmem>>[vector<16xi32>, vector<16xi32>], vector<16xf32>,
      %sub3A_616 = arith.subf %bitcast3A_99, %bitcast3A_102 : vector<16xf32>
      %jit3A_617 = arith.constant -2.000000e+01 : f32
      %jit3A_618 = arith.constant 2.000000e+01 : f32
      %max3A_619 = vector.broadcast %jit3A_617 : f32 to vector<16xf32>
      %max3A_620 = arith.maximumf %max3A_619, %sub3A_616 : vector<16xf32>
      %min3A_621 = vector.broadcast %jit3A_618 : f32 to vector<16xf32>
      %min3A_622 = arith.minimumf %min3A_621, %max3A_620 : vector<16xf32>
      %mul3A_623 = arith.constant 512 : i32
      %mul3A_624 = arith.muli %scan3A_49, %mul3A_623 : i32
      %add3A_625 = arith.constant 27 : i32
      %add3A_626 = arith.addi %mul3A_624, %add3A_625 : i32
      %add3A_627 = vector.broadcast %add3A_626 : i32 to vector<16xi32>
      %add3A_628 = arith.addi %mul3A_14, %add3A_627 : vector<16xi32>
      %shift_right_arithmetic3A_629 = arith.constant 7 : i32
      %shift_right_arithmetic3A_630 = vector.broadcast %shift_right_arithmetic3A_629 : i32 to vector<16xi32>
      %shift_right_arithmetic3A_631 = arith.shrsi %add3A_628, %shift_right_arithmetic3A_630 : vector<16xi32>
      %and3A_632 = arith.constant 127 : i32
      %and3A_633 = vector.broadcast %and3A_632 : i32 to vector<16xi32>
      %and3A_634 = arith.andi %add3A_628, %and3A_633 : vector<16xi32>
      tpu.vector_store_idx %arg7[%shift_right_arithmetic3A_631, %and3A_634], %min3A_622 : memref<64x128xf32, #tpu.memory_space<vmem>>[vector<16xi32>, vector<16xi32>], vector<16xf32>,
      %sub3A_635 = arith.subf %bitcast3A_84, %bitcast3A_108 : vector<16xf32>
      %jit3A_636 = arith.constant -2.000000e+01 : f32
      %jit3A_637 = arith.constant 2.000000e+01 : f32
      %max3A_638 = vector.broadcast %jit3A_636 : f32 to vector<16xf32>
      %max3A_639 = arith.maximumf %max3A_638, %sub3A_635 : vector<16xf32>
      %min3A_640 = vector.broadcast %jit3A_637 : f32 to vector<16xf32>
      %min3A_641 = arith.minimumf %min3A_640, %max3A_639 : vector<16xf32>
      %mul3A_642 = arith.constant 512 : i32
      %mul3A_643 = arith.muli %scan3A_49, %mul3A_642 : i32
      %add3A_644 = arith.constant 28 : i32
      %add3A_645 = arith.addi %mul3A_643, %add3A_644 : i32
      %add3A_646 = vector.broadcast %add3A_645 : i32 to vector<16xi32>
      %add3A_647 = arith.addi %mul3A_14, %add3A_646 : vector<16xi32>
      %shift_right_arithmetic3A_648 = arith.constant 7 : i32
      %shift_right_arithmetic3A_649 = vector.broadcast %shift_right_arithmetic3A_648 : i32 to vector<16xi32>
      %shift_right_arithmetic3A_650 = arith.shrsi %add3A_647, %shift_right_arithmetic3A_649 : vector<16xi32>
      %and3A_651 = arith.constant 127 : i32
      %and3A_652 = vector.broadcast %and3A_651 : i32 to vector<16xi32>
      %and3A_653 = arith.andi %add3A_647, %and3A_652 : vector<16xi32>
      tpu.vector_store_idx %arg7[%shift_right_arithmetic3A_650, %and3A_653], %min3A_641 : memref<64x128xf32, #tpu.memory_space<vmem>>[vector<16xi32>, vector<16xi32>], vector<16xf32>,
      %sub3A_654 = arith.subf %bitcast3A_96, %bitcast3A_108 : vector<16xf32>
      %jit3A_655 = arith.constant -2.000000e+01 : f32
      %jit3A_656 = arith.constant 2.000000e+01 : f32
      %max3A_657 = vector.broadcast %jit3A_655 : f32 to vector<16xf32>
      %max3A_658 = arith.maximumf %max3A_657, %sub3A_654 : vector<16xf32>
      %min3A_659 = vector.broadcast %jit3A_656 : f32 to vector<16xf32>
      %min3A_660 = arith.minimumf %min3A_659, %max3A_658 : vector<16xf32>
      %mul3A_661 = arith.constant 512 : i32
      %mul3A_662 = arith.muli %scan3A_49, %mul3A_661 : i32
      %add3A_663 = arith.constant 29 : i32
      %add3A_664 = arith.addi %mul3A_662, %add3A_663 : i32
      %add3A_665 = vector.broadcast %add3A_664 : i32 to vector<16xi32>
      %add3A_666 = arith.addi %mul3A_14, %add3A_665 : vector<16xi32>
      %shift_right_arithmetic3A_667 = arith.constant 7 : i32
      %shift_right_arithmetic3A_668 = vector.broadcast %shift_right_arithmetic3A_667 : i32 to vector<16xi32>
      %shift_right_arithmetic3A_669 = arith.shrsi %add3A_666, %shift_right_arithmetic3A_668 : vector<16xi32>
      %and3A_670 = arith.constant 127 : i32
      %and3A_671 = vector.broadcast %and3A_670 : i32 to vector<16xi32>
      %and3A_672 = arith.andi %add3A_666, %and3A_671 : vector<16xi32>
      tpu.vector_store_idx %arg7[%shift_right_arithmetic3A_669, %and3A_672], %min3A_660 : memref<64x128xf32, #tpu.memory_space<vmem>>[vector<16xi32>, vector<16xi32>], vector<16xf32>,
      %sub3A_673 = arith.subf %bitcast3A_102, %bitcast3A_108 : vector<16xf32>
      %jit3A_674 = arith.constant -2.000000e+01 : f32
      %jit3A_675 = arith.constant 2.000000e+01 : f32
      %max3A_676 = vector.broadcast %jit3A_674 : f32 to vector<16xf32>
      %max3A_677 = arith.maximumf %max3A_676, %sub3A_673 : vector<16xf32>
      %min3A_678 = vector.broadcast %jit3A_675 : f32 to vector<16xf32>
      %min3A_679 = arith.minimumf %min3A_678, %max3A_677 : vector<16xf32>
      %mul3A_680 = arith.constant 512 : i32
      %mul3A_681 = arith.muli %scan3A_49, %mul3A_680 : i32
      %add3A_682 = arith.constant 30 : i32
      %add3A_683 = arith.addi %mul3A_681, %add3A_682 : i32
      %add3A_684 = vector.broadcast %add3A_683 : i32 to vector<16xi32>
      %add3A_685 = arith.addi %mul3A_14, %add3A_684 : vector<16xi32>
      %shift_right_arithmetic3A_686 = arith.constant 7 : i32
      %shift_right_arithmetic3A_687 = vector.broadcast %shift_right_arithmetic3A_686 : i32 to vector<16xi32>
      %shift_right_arithmetic3A_688 = arith.shrsi %add3A_685, %shift_right_arithmetic3A_687 : vector<16xi32>
      %and3A_689 = arith.constant 127 : i32
      %and3A_690 = vector.broadcast %and3A_689 : i32 to vector<16xi32>
      %and3A_691 = arith.andi %add3A_685, %and3A_690 : vector<16xi32>
      tpu.vector_store_idx %arg7[%shift_right_arithmetic3A_688, %and3A_691], %min3A_679 : memref<64x128xf32, #tpu.memory_space<vmem>>[vector<16xi32>, vector<16xi32>], vector<16xf32>,
      %sub3A_692 = arith.subf %bitcast3A_105, %bitcast3A_108 : vector<16xf32>
      %jit3A_693 = arith.constant -2.000000e+01 : f32
      %jit3A_694 = arith.constant 2.000000e+01 : f32
      %max3A_695 = vector.broadcast %jit3A_693 : f32 to vector<16xf32>
      %max3A_696 = arith.maximumf %max3A_695, %sub3A_692 : vector<16xf32>
      %min3A_697 = vector.broadcast %jit3A_694 : f32 to vector<16xf32>
      %min3A_698 = arith.minimumf %min3A_697, %max3A_696 : vector<16xf32>
      %mul3A_699 = arith.constant 512 : i32
      %mul3A_700 = arith.muli %scan3A_49, %mul3A_699 : i32
      %add3A_701 = arith.constant 31 : i32
      %add3A_702 = arith.addi %mul3A_700, %add3A_701 : i32
      %add3A_703 = vector.broadcast %add3A_702 : i32 to vector<16xi32>
      %add3A_704 = arith.addi %mul3A_14, %add3A_703 : vector<16xi32>
      %shift_right_arithmetic3A_705 = arith.constant 7 : i32
      %shift_right_arithmetic3A_706 = vector.broadcast %shift_right_arithmetic3A_705 : i32 to vector<16xi32>
      %shift_right_arithmetic3A_707 = arith.shrsi %add3A_704, %shift_right_arithmetic3A_706 : vector<16xi32>
      %and3A_708 = arith.constant 127 : i32
      %and3A_709 = vector.broadcast %and3A_708 : i32 to vector<16xi32>
      %and3A_710 = arith.andi %add3A_704, %and3A_709 : vector<16xi32>
      tpu.vector_store_idx %arg7[%shift_right_arithmetic3A_707, %and3A_710], %min3A_698 : memref<64x128xf32, #tpu.memory_space<vmem>>[vector<16xi32>, vector<16xi32>], vector<16xf32>,
    }
    %scan3A_46 = arith.constant 16 : i32
    %mul3A_47 = arith.constant 64 : i32
    %mul3A_48 = arith.muli %add3A, %mul3A_47 : i32
    "tpu.region"() ({
      %run_scoped3A = tpu.sem_alloc : memref<!tpu.dma_semaphore, #tpu.memory_space<semaphore_mem>>
      %dma_start3A = arith.constant 0 : i32
      %dma_start3A_49 = tpu.memref_slice %arg4[%mul3A_48, %dma_start3A] : memref<2048x128xf32, #tpu.memory_space<hbm>> -> memref<64x128xf32, #tpu.memory_space<hbm>>
      %dma_start3A_50 = arith.constant 0 : i32
      %dma_start3A_51 = tpu.memref_slice %arg4[%mul3A_48, %dma_start3A_50] : memref<2048x128xf32, #tpu.memory_space<hbm>> -> memref<64x128xf32, #tpu.memory_space<hbm>>
      tpu.enqueue_dma source(%arg7 : memref<64x128xf32, #tpu.memory_space<vmem>>) target(%dma_start3A_51 : memref<64x128xf32, #tpu.memory_space<hbm>>) target_semaphore(%run_scoped3A : memref<!tpu.dma_semaphore, #tpu.memory_space<semaphore_mem>>)
      %dma_wait3A = arith.constant 0 : i32
      %dma_wait3A_52 = tpu.memref_slice %arg4[%mul3A_48, %dma_wait3A] : memref<2048x128xf32, #tpu.memory_space<hbm>> -> memref<64x128xf32, #tpu.memory_space<hbm>>
      %dma_wait3A_53 = arith.constant 0 : i32
      %dma_wait3A_54 = tpu.memref_slice %arg4[%mul3A_48, %dma_wait3A_53] : memref<2048x128xf32, #tpu.memory_space<hbm>> -> memref<64x128xf32, #tpu.memory_space<hbm>>
      tpu.wait_dma2 semaphore(%run_scoped3A : memref<!tpu.dma_semaphore, #tpu.memory_space<semaphore_mem>>) src(%arg7 : memref<64x128xf32, #tpu.memory_space<vmem>>) dst(%dma_wait3A_54 : memref<64x128xf32, #tpu.memory_space<hbm>>)
      tpu.yield
    }) : () -> ()
    return
  }
}

</mosaic_0001>

<sc_bundles>
// kernel: kernel.3.cloned.1.call-start
scs
__scs_entry_jumppad:
0x0: {  	(pc) =	sbr.rel $0x88, $3  }
0x1: {  	(tag) =	ssettag $0x0;
	lr =	simm.s32 $0x1  }
0x2: {  	[smem:$0x3F9F] =	sst lr;
	_ =	strace $0xD0000000  }
0x3: {  	_ = 	snop  }
0x4: {  	_ = 	snop  }
0x5: {  	_ = 	snop  }
0x6: {  	_ = 	snop  }
0x7: {  	_ = 	snop  }
__scs_overlays_trampoline_lowered:
0x8: {  	[smem:$0x3FAE] =	sst s0  }
0x9: {  	[smem:$0x3FAF] =	sst s1  }
0xa: {  	[smem:$0x3FB0] =	sst s2  }
0xb: {  	[smem:$0x3FB1] =	sst s3  }
0xc: {  	[smem:$0x3FB2] =	sst s4  }
0xd: {  	[smem:$0x3FB3] =	sst s5  }
0xe: {  	[smem:$0x3FB4] =	sst s6  }
0xf: {  	[smem:$0x3FB5] =	sst s7  }
0x10: {  	[smem:$0x3FB6] =	sst s8  }
0x11: {  	[smem:$0x3FB7] =	sst s9;
	s0 =	simm.s32 @!p0 $0x0  }
0x12: {  	s1 =	sld [smem:$0x3F9D];
	s0 =	simm.s32 @p0 $0x1  }
0x13: {  	[smem:$0x3FB8] =	sst s0;
	s0 =	simm.s32 @!p1 $0x0  }
0x14: {  	s2 =	sld [smem:$0x3F9C];
	s0 =	simm.s32 @p1 $0x1  }
0x15: {  	[smem:$0x3FB9] =	sst s0;
	s0 =	simm.s32 @!p2 $0x0  }
0x16: {  	s3 =	sld [smem:$0x3FDB];
	s0 =	simm.s32 @p2 $0x1  }
0x17: {  	s4 =	simm.s32 $0x1BF5;
	[smem:$0x3FBB] =	sst s0  }
0x18: {  	s0 =	sld [smem:$0x3F9E];
	_ =	swait.ge [sflag:s4], $0x0  }
0x19: {  	s7 =	sld [smem:$0x3F9F]  }
0x1a: {  	s8 =	sadd.s32 $0xFFFFE003, lr  }
0x1b: {  	s9 =	sadd.s32 $0xFFFFFEF7, lr;
	s5 =	simm.s32 $0xFFFFFFFF;
	p2 =	slt.u32 s8, $0xFFFFF086  }
0x1c: {  	p1 =	slt.u32 s9, $0xF7A;
	s5 =	simm.s32 @!p2 $0x0  }
0x1d: {  	s5 =	simm.s32 @p1 $0x1;
	p0 =	seq.s32 s7, s2  }
0x1e: {  	s7 =	smul.u32 @!p0 $0xF7A, s2;
	p2 =	seq.s32 @!p0 s5, $0x0  }
0x1f: {  	s9 =	smul.u32 $0xF7A, s1;
	s8 =	simm.s32 @!p0 $0x1BF5;
	p2 =	por !p2, p0  }
0x20: {  	[sflag:s8] =	ssyncset.s32 @!p0 $0xFFFFF086;
	s6 =	sadd.s32 @!p0 s3, s7;
	s7 =	simm.s32 @!p0 $0x108  }
0x21: {  	s3 =	sadd.s32 s3, s9;
	s6 =	sadd.s32 @!p0 $0x88, s6;
	s7 =	simm.s32 @p2 $0x1082  }
0x22: {  	[simem:s7], [sflag:s8] =	dma.local @!p0 [hbm:s6], $0xF7A  }
0x23: {  	s9 =	sor.u32 $0xD0000000, s2;
	s6 =	simm.s32 $0x108;
	_ =	swait.ge @!p0 [sflag:s8], $0x0  }
0x24: {  	s3 =	sadd.s32 $0x88, s3;
	s6 =	simm.s32 @!p1 $0x1082;
	[sflag:s4] =	ssyncset.s32 $0xFFFFF086  }
0x25: {  	[simem:s6], [sflag:s4] =	dma.local [hbm:s3], $0xF7A  }
0x26: {  	[smem:$0x3F9F] =	sst s1;
	(tag) =	ssettag s2;
	_ =	strace s9  }
0x27: {  	s1 =	sld [smem:$0x3FAF]  }
0x28: {  	s2 =	sld [smem:$0x3FB0]  }
0x29: {  	s4 =	sld [smem:$0x3FB2]  }
0x2a: {  	p0 =	seq.s32 s5, $0x0;
	s5 =	sld [smem:$0x3FB3]  }
0x2b: {  	s6 =	sld [smem:$0x3FB4]  }
0x2c: {  	s7 =	sld [smem:$0x3FB5]  }
0x2d: {  	s3 =	simm.s32 $0x108;
	s8 =	sld [smem:$0x3FB6]  }
0x2e: {  	s3 =	simm.s32 @!p0 $0x1082;
	s9 =	sld [smem:$0x3FB7]  }
0x2f: {  	lr =	sadd.s32 s0, s3;
	s0 =	sld [smem:$0x3FAE]  }
0x30: {  	s3 =	sld [smem:$0x3FB1]  }
0x31: {  	[smem:$0x3FBA] =	sst s10  }
0x32: {  	s10 =	sld [smem:$0x3FB8];
	_ =	sdelay $0x3  }
0x33: {  	p0 =	seq.s32 s10, $0x1;
	s10 =	sld [smem:$0x3FBA];
	_ =	sdelay $0x3  }
0x34: {  	[smem:$0x3FBA] =	sst s10  }
0x35: {  	s10 =	sld [smem:$0x3FB9];
	_ =	sdelay $0x3  }
0x36: {  	p1 =	seq.s32 s10, $0x1;
	s10 =	sld [smem:$0x3FBA];
	_ =	sdelay $0x3  }
0x37: {  	[smem:$0x3FBA] =	sst s10  }
0x38: {  	s10 =	sld [smem:$0x3FBB]  }
0x39: {  	_ = 	snop;
	(pc) =	sbr.ind lr, $3  }
0x3a: {  	_ = 	snop  }
0x3b: {  	_ = 	snop  }
0x3c: {  	p2 =	seq.s32 s10, $0x1;
	s10 =	sld [smem:$0x3FBA]  }
0x3d: {  	_ =	shalt  }
0x3e: {  	_ =	shalt  }
0x3f: {  	_ =	shalt  }
0x40: {  	_ =	shalt  }
0x41: {  	_ =	shalt  }
0x42: {  	_ =	shalt  }
0x43: {  	_ =	shalt  }
0x44: {  	_ =	shalt  }
0x45: {  	_ =	shalt  }
0x46: {  	_ =	shalt  }
0x47: {  	_ =	shalt  }
0x48: {  	_ =	shalt  }
0x49: {  	_ =	shalt  }
0x4a: {  	_ =	shalt  }
0x4b: {  	_ =	shalt  }
0x4c: {  	_ =	shalt  }
0x4d: {  	_ =	shalt  }
0x4e: {  	_ =	shalt  }
0x4f: {  	_ =	shalt  }
0x50: {  	_ =	shalt  }
0x51: {  	_ =	shalt  }
0x52: {  	_ =	shalt  }
0x53: {  	_ =	shalt  }
0x54: {  	_ =	shalt  }
0x55: {  	_ =	shalt  }
0x56: {  	_ =	shalt  }
0x57: {  	_ =	shalt  }
0x58: {  	_ =	shalt  }
0x59: {  	_ =	shalt  }
0x5a: {  	_ =	shalt  }
0x5b: {  	_ =	shalt  }
0x5c: {  	_ =	shalt  }
0x5d: {  	_ =	shalt  }
0x5e: {  	_ =	shalt  }
0x5f: {  	_ =	shalt  }
0x60: {  	_ =	shalt  }
0x61: {  	_ =	shalt  }
0x62: {  	_ =	shalt  }
0x63: {  	_ =	shalt  }
0x64: {  	_ =	shalt  }
0x65: {  	_ =	shalt  }
0x66: {  	_ =	shalt  }
0x67: {  	_ =	shalt  }
0x68: {  	_ =	shalt  }
0x69: {  	_ =	shalt  }
0x6a: {  	_ =	shalt  }
0x6b: {  	_ =	shalt  }
0x6c: {  	_ =	shalt  }
0x6d: {  	_ =	shalt  }
0x6e: {  	_ =	shalt  }
0x6f: {  	_ =	shalt  }
0x70: {  	_ =	shalt  }
0x71: {  	_ =	shalt  }
0x72: {  	_ =	shalt  }
0x73: {  	_ =	shalt  }
0x74: {  	_ =	shalt  }
0x75: {  	_ =	shalt  }
0x76: {  	_ =	shalt  }
0x77: {  	_ =	shalt  }
0x78: {  	_ =	shalt  }
0x79: {  	_ =	shalt  }
0x7a: {  	_ =	shalt  }
0x7b: {  	_ =	shalt  }
0x7c: {  	_ =	shalt  }
0x7d: {  	_ =	shalt  }
0x7e: {  	_ =	shalt  }
0x7f: {  	_ =	shalt  }
0x80: {  	_ =	shalt  }
0x81: {  	_ =	shalt  }
0x82: {  	_ =	shalt  }
0x83: {  	_ =	shalt  }
0x84: {  	_ =	shalt  }
0x85: {  	_ =	shalt  }
0x86: {  	_ =	shalt  }
0x87: {  	_ =	shalt  }
.Lfunc_end0:
.L_simem_size_0:
called_computation_lowered:
.L_overlay_start_0:
0x88: {  	s2 =	sld [smem:$0x3FD9]  }
0x89: {  	s3 =	sld [smem:$0x3FFE];
	_ =	sdelay $0x1  }
0x8a: {  	s1 =	srdreg.scid  }
0x8b: {  	s0 =	sand.u32 $0x1, s1  }
0x8c: {  	s17 =	sshll.u32 s0, $0xA;
	s2 =	sadd.s32 s3, s2  }
0x8d: {  	s2 =	sadd.s32 s2, s17  }
0x8e: {  	[smem:$0x3FC6] =	sst s2  }
0x8f: {  	_ = 	snop  }
0x90: {  	s2 =	sld [smem:$0x3FD0];
	(tm) =	ssettm $0x1  }
0x91: {  	s18 =	sld [smem:$0x3FFB];
	_ =	sdelay $0x3  }
0x92: {  	_ =	strace s18  }
0x93: {  	s3 =	sld [smem:$0x3FFC];
	_ =	sdelay $0x3  }
0x94: {  	_ =	strace s3  }
0x95: {  	s3 =	sld [smem:$0x3FFD];
	_ =	sdelay $0x3  }
0x96: {  	_ =	strace s3  }
0x97: {  	_ =	strace $0x8FFFFFFF  }
0x98: {  	s19 =	sld [smem:$0x3FDB];
	_ =	sdelay $0x1  }
0x99: {  	s4 =	simm.s32 $_scs_section_size  }
0x9a: {  	s5 =	simm.s32 $_size__tile_overlayer_lowered;
	s6 =	simm.s32 $_tile_overlayer_lowered  }
0x9b: {  	s22 =	simm.s32 $0x1BFF;
	s21 =	sshll.u32 s6, $0x1;
	s3 =	sadd.s32 s4, s19  }
0x9c: {  	s7 =	simm.s32 $0x0;
	s20 =	sshll.u32 s5, $0x1;
	s5 =	sadd.s32 s21, s3  }
0x9d: {  	[timem:s7], [sflag:s22] =	dma.local [hbm:s5], s20  }
0x9e: {  	_ =	swait.ge [sflag:s22], s20  }
0x9f: {  	s4 =	ssub.s32 $0x0, s20;
	[sflag:s22] =	ssyncset.done $0x0  }
0xa0: {  	[sflag:s22] =	ssyncadd.s32 s4;
	_ =	sdelay $0x1  }
0xa1: {  	s23 =	simm.s32 $0x1B8B  }
0xa2: {  	_ =	swait.ge [sflag:s23], $0x1  }
0xa3: {  	[sflag:s23] =	ssyncset.done $0x0  }
0xa4: {  	s25 =	simm.s32 $0x1B8E;
	s24 =	sld [smem:$0x3FFE];
	[sflag:s23] =	ssyncadd.s32 $0xFFFFFFFF  }
0xa5: {  	s26 =	simm.s32 $execute0_lowered;
	[smem:$0x3FD2] =	sst s25  }
0xa6: {  	s5 =	sshll.u32 s26, $0x1;
	_ =	strace $0x80000046;
	[dreg:$0x1] =	wrdreg $0xFFFFFFFF  }
0xa7: {  	s28 =	simm.s32 $_size_execute0_lowered;
	s3 =	sadd.s32 s3, s5;
	[dreg:$0x0] =	wrdreg $0x0  }
0xa8: {  	s5 =	sshll.u32 s28, $0x1;
	[dreg:$0x2] =	wrdreg s3  }
0xa9: {  	[dreg:$0x3] =	wrdreg s5  }
0xaa: {  	[dreg:$0x4] =	wrdreg $0xC0  }
0xab: {  	_ =	task [dreg:s7], $0x5FFFF  }
0xac: {  	[dreg:$0x1] =	wrdreg $0xFFFFFFFF  }
0xad: {  	[dreg:$0x0] =	wrdreg $0x60  }
0xae: {  	[dreg:$0x2] =	wrdreg s24  }
0xaf: {  	[dreg:$0x3] =	wrdreg s2  }
0xb0: {  	[dreg:$0x4] =	wrdreg $0x9  }
0xb1: {  	_ =	task.clear_ibuf [dreg:s7], $0x5FFFF;
	_ =	strace $0x90000046  }
0xb2: {  	s29 =	simm.s32 $0x9;
	_ =	strace $0x80000048  }
0xb3: {  	_ =	swait.ge [sflag:s29], $0x1  }
0xb4: {  	[sflag:s29] =	ssyncadd.s32 $0xFFFFFFFF  }
0xb5: {  	_ =	strace $0x90000048  }
0xb6: {  	_ =	sfence  }
0xb7: {  	s30 =	sld [smem:$0x0];
	_ =	sdelay $0x2  }
0xb8: {  	s31 =	sshll.u32 s1, $0xD;
	s1 =	sshrl.u32 s1, $0x2  }
0xb9: {  	s3 =	sand.u32 $0x4000, s31;
	s1 =	sadd.s32 s1, s30  }
0xba: {  	s0 =	sor.u32 s3, s0;
	s1 =	sshll.u32 s1, $0x11  }
0xbb: {  	s0 =	sor.u32 s1, s0  }
0xbc: {  	s0 =	sadd.s32 $0x8F2B, s0  }
0xbd: {  	[sflag:s0] =	ssyncadd.remote.s32 $0x1  }
0xbe: {  	_ =	sfence.sel $0xFFFF  }
0xbf: {  	[dreg:$0x0] =	wrdreg $0xFFFFFFFF;
	(pc) =	sbr.abs _section_cstart, $3  }
0xc0: {  	[dreg:$0x1] =	wrdreg $0xFFFFFFFF  }
0xc1: {  	_ =	task.clear_ibuf [dreg:s7], $0x2FFFF;
	_ =	strace $0x9FFFFFFF  }
0xc2: {  	(tm) =	ssettm $0x7FFFFFFF  }
0xc3: {  	_ =	shalt  }
tec
execute0_lowered:
.L_overlay_start_1:
0x0: {  	(tag) =	ssettag $0x1  }
0x1: {  	s3 =	rddreg [dreg:$0x0]  }
0x2: {  	s4 =	rddreg [dreg:$0x1]  }
0x3: {  	s0 =	rddreg [dreg:$0x2]  }
0x4: {  	s5 =	srdreg.scid;
	s1 =	stileid.u32  }
0x5: {  	s2 =	simm.s32 $0x0;
	s5 =	sand.u32 $0x1, s5;
	s6 =	sshll.u32 s1, $0x1  }
0x6: {  	s10 =	simm.s32 $0x0;
	[smem:$0x7FF] =	sst s2;
	s6 =	sor.u32 s5, s6  }
0x7: {  	_ =	strace $0x80000047;
	s5 =	ssub.s32 $0x2, s5;
	s7 =	sshll.u32 s6, $0x11  }
0x8: {  	s6 =	sshll.u32 s6, $0xA;
	s31 =	sshrl.u32 s5, $0x1;
	s7 =	sadd.s32 s7, s3  }
0x9: {  	s8 =	sadd.s32 s6, s3;
	s9 =	ssub.s32 s5, s31;
	s3 =	sadd.s32 s4, s6  }
0xa: {  	v1 =	vlaneseq.u32;
	s4 =	sadd.s32 $0x400, s7;
	s5 =	sadd.s32 $0x400400, s8;
	s6 =	smax.u32 s9, $0x1  }
0xb: {  	v2 =	vimm.s32 $0x1;
	v0 =	vmul.u32 $0x20, v1;
	v1 =	vmul.u32 $0x1000, v1;
	s7 =	simm.s32 $0x10000;
	s8 =	simm.s32 $0x1;
	s9 =	simm.s32 $0x12000  }
.LBB2_1:
0xc: {  	[tilespmem:s7], [sflag:$0x1] =	stream.linear.gather [hbm4b:s3+s2], $0x2000, $0x38;
	[tilespmem:$0x14000] =	vst v63  }
0xd: {  	_ =	swait.ge [sflag:s8], $0x2000  }
0xe: {  	[sflag:s8] =	ssyncset.done $0x0  }
0xf: {  	s11 =	simm.s32 $0x0;
	s12 =	simm.s32 $0x0;
	[sflag:s8] =	ssyncadd.s32 $0xFFFFE000  }
.LBB2_2:
0x10: {  	s13 =	sshll.u32 s12, $0xD;
	v3 =	vimm.s32 $0x807FFFFF  }
0x11: {  	s14 =	simm.s32 $0x0;
	v4 =	vimm.s32 $0x807FFFFF;
	v6 =	vimm.s32 $0x807FFFFF;
	v7 =	vimm.s32 $0x807FFFFF;
	s13 =	sadd.s32 s13, s4  }
0x12: {  	v5 =	vimm.s32 $0x807FFFFF;
	v8 =	vimm.s32 $0x807FFFFF;
	v9 =	vimm.s32 $0x807FFFFF;
	[tilespmem:s14], [sflag:$0x1] =	stream.linear.gather [hbm4b:s13+s14], $0x10000, $0x38;
	[tilespmem:$0x14000] =	vst v63  }
0x13: {  	v11 =	vimm.s32 $0x807FFFFF;
	v12 =	vimm.s32 $0x807FFFFF;
	v13 =	vimm.s32 $0x807FFFFF;
	_ =	swait.ge [sflag:s8], $0x10000  }
0x14: {  	v15 =	vimm.s32 $0x807FFFFF;
	v19 =	vimm.s32 $0x807FFFFF;
	v14 =	vimm.s32 $0x807FFFFF;
	[sflag:s8] =	ssyncset.done $0x0  }
0x15: {  	v18 =	vimm.s32 $0x807FFFFF;
	v16 =	vimm.s32 $0x807FFFFF;
	v17 =	vimm.s32 $0x807FFFFF;
	s13 =	sshll.u32 s12, $0x9;
	[sflag:s8] =	ssyncadd.s32 $0xFFFF0000  }
.LBB2_3:
0x16: {  	v10 =	vmov s14;
	s15 =	sadd.s32 s14, s11  }
0x17: {  	v10 =	vshll.u32 v10, $0x7;
	v27 =	vor.u32 s15, v0  }
0x18: {  	v10 =	vor.u32 v1, v10  }
0x19: {  	v20 =	vor.u32 $0x1, v10  }
0x1a: {  	v21 =	vor.u32 $0x2, v10  }
0x1b: {  	v22 =	vor.u32 $0x3, v10  }
0x1c: {  	v23 =	vor.u32 $0x4, v10;
	v61 =	vld.idx.msk [tilespmem:v27+s7+$0x0], $0xffff  }
0x1d: {  	v25 =	vor.u32 $0x5, v10;
	v24 =	vld.idx.msk [tilespmem:v10+s2+$0x0], $0xffff  }
0x1e: {  	v26 =	vor.u32 $0x6, v10;
	v20 =	vld.idx.msk [tilespmem:v20+s2+$0x0], $0xffff  }
0x1f: {  	v21 =	vld.idx.msk [tilespmem:v21+s2+$0x0], $0xffff  }
0x20: {  	v10 =	vor.u32 $0x7, v10;
	v22 =	vld.idx.msk [tilespmem:v22+s2+$0x0], $0xffff  }
0x21: {  	v23 =	vld.idx.msk [tilespmem:v23+s2+$0x0], $0xffff  }
0x22: {  	v25 =	vld.idx.msk [tilespmem:v25+s2+$0x0], $0xffff  }
0x23: {  	s16 =	sadd.s32 $0x1, s14;
	v26 =	vld.idx.msk [tilespmem:v26+s2+$0x0], $0xffff  }
0x24: {  	v42 =	vmov s16;
	v24 =	vshll.u32 v2, v24;
	v20 =	vshll.u32 v2, v20  }
0x25: {  	v43 =	vshll.u32 v42, $0x7;
	v10 =	vld.idx.msk [tilespmem:v10+s2+$0x0], $0xffff;
	v21 =	vshll.u32 v2, v21;
	v20 =	vor.u32 v24, v20  }
0x26: {  	v28 =	vmul.f32 $5.000000000e-01, v61;
	v62 =	vshll.u32 v2, v22;
	v20 =	vor.u32 v21, v20  }
0x27: {  	v63 =	vshll.u32 v2, v23;
	v25 =	vshll.u32 v2, v25;
	v20 =	vor.u32 v62, v20  }
0x28: {  	v27 =	vshll.u32 v2, v26;
	v21 =	vor.u32 v1, v43;
	v20 =	vor.u32 v63, v20  }
0x29: {  	v46 =	vor.u32 $0x1, v21;
	v49 =	vor.u32 $0x2, v21;
	v20 =	vor.u32 v25, v20  }
0x2a: {  	v50 =	vor.u32 $0x3, v21;
	v10 =	vshll.u32 v2, v10;
	v20 =	vor.u32 v27, v20  }
0x2b: {  	v53 =	vor.u32 $0x4, v21;
	v10 =	vor.u32 v10, v20;
	v20 =	vxor.u32 $0xFFFFFFFF, v28  }
0x2c: {  	v55 =	vor.u32 $0x5, v21;
	v29 =	vand.u32 $0x8000, v10;
	v30 =	vmax.u32 v17, v20  }
0x2d: {  	v31 =	vand.u32 $0x4000, v10;
	v32 =	vand.u32 $0x2000, v10;
	v33 =	vmax.u32 v16, v20  }
0x2e: {  	v34 =	vmax.u32 v18, v20;
	v35 =	vand.u32 $0x1000, v10;
	v36 =	vmax.u32 v14, v20  }
0x2f: {  	v37 =	vand.u32 $0x800, v10;
	v38 =	vmax.u32 v19, v20;
	v39 =	vand.u32 $0x400, v10  }
0x30: {  	v40 =	vmax.u32 v15, v20;
	v41 =	vand.u32 $0x200, v10;
	v44 =	vmax.u32 v13, v20  }
0x31: {  	v45 =	vand.u32 $0x100, v10;
	v47 =	vmax.u32 v12, v20;
	v48 =	vand.u32 $0x80, v10  }
0x32: {  	v51 =	vmax.u32 v11, v20;
	v52 =	vand.u32 $0x40, v10;
	v28 =	vmax.u32 v9, v20  }
0x33: {  	v56 =	vmax.u32 v8, v20;
	v57 =	vand.u32 $0x10, v10;
	v58 =	vand.u32 $0x8, v10  }
0x34: {  	v59 =	vmax.u32 v5, v20;
	v60 =	vmax.u32 v7, v20;
	v61 =	vand.u32 $0x4, v10  }
0x35: {  	v63 =	vmax.u32 v6, v20;
	vm0 =	veq.s32 v29, $0x0;
	vm15 =	veq.s32 v31, $0x0  }
0x36: {  	vm1 =	veq.s32 v32, $0x0;
	vm4 =	veq.s32 v35, $0x0;
	vm5 =	veq.s32 v37, $0x0  }
0x37: {  	vm6 =	veq.s32 v39, $0x0;
	vm7 =	veq.s32 v41, $0x0;
	vm8 =	veq.s32 v45, $0x0  }
0x38: {  	s28 =	sadd.s32 $0x1, s15;
	vm9 =	veq.s32 v48, $0x0;
	vm10 =	veq.s32 v52, $0x0;
	v29 =	vand.u32 $0x20, v10  }
0x39: {  	v31 =	vor.u32 s28, v0;
	vm12 =	veq.s32 v57, $0x0;
	vm13 =	veq.s32 v58, $0x0  }
0x3a: {  	v54 =	vld.idx.msk [tilespmem:v21+s2+$0x0], $0xffff;
	vm14 =	veq.s32 v61, $0x0;
	v37 =	vmax.u32 v4, v20;
	v20 =	vmax.u32 v3, v20  }
0x3b: {  	v22 =	vld.idx.msk [tilespmem:v46+s2+$0x0], $0xffff;
	v17 =	vsel vm0, v17, v30;
	v16 =	vsel vm15, v16, v33;
	v18 =	vsel vm1, v18, v34  }
0x3c: {  	v25 =	vld.idx.msk [tilespmem:v49+s2+$0x0], $0xffff;
	v14 =	vsel vm4, v14, v36;
	v19 =	vsel vm5, v19, v38;
	v30 =	vor.u32 $0x6, v21  }
0x3d: {  	v23 =	vld.idx.msk [tilespmem:v50+s2+$0x0], $0xffff;
	v15 =	vsel vm6, v15, v40;
	v13 =	vsel vm7, v13, v44;
	v21 =	vor.u32 $0x7, v21  }
0x3e: {  	v27 =	vld.idx.msk [tilespmem:v53+s2+$0x0], $0xffff;
	v12 =	vsel vm8, v12, v47;
	v11 =	vsel vm9, v11, v51;
	v9 =	vsel vm10, v9, v28  }
0x3f: {  	v26 =	vld.idx.msk [tilespmem:v55+s2+$0x0], $0xffff;
	vm11 =	veq.s32 v29, $0x0;
	v5 =	vsel vm12, v5, v59;
	v7 =	vsel vm13, v7, v60  }
0x40: {  	s29 =	sadd.s32 $0x2, s14;
	v6 =	vsel vm14, v6, v63;
	v34 =	vand.u32 $0x2, v10;
	v10 =	vand.u32 $0x1, v10;
	v33 =	vld.idx.msk [tilespmem:v31+s7+$0x0], $0xffff  }
0x41: {  	v47 =	vmov s29;
	v24 =	vshll.u32 v2, v54;
	v22 =	vshll.u32 v2, v22;
	v62 =	vld.idx.msk [tilespmem:v30+s2+$0x0], $0xffff  }
0x42: {  	v8 =	vsel vm11, v8, v56;
	v32 =	vshll.u32 v2, v25;
	v22 =	vor.u32 v24, v22;
	v21 =	vld.idx.msk [tilespmem:v21+s2+$0x0], $0xffff  }
0x43: {  	vm15 =	veq.s32 v34, $0x0;
	v23 =	vshll.u32 v2, v23;
	v22 =	vor.u32 v32, v22  }
0x44: {  	vm4 =	veq.s32 v10, $0x0;
	v35 =	vshll.u32 v2, v27;
	v22 =	vor.u32 v23, v22  }
0x45: {  	v4 =	vsel vm15, v4, v37;
	v36 =	vshll.u32 v2, v26;
	v22 =	vor.u32 v35, v22  }
0x46: {  	v22 =	vor.u32 v36, v22;
	v39 =	vmul.f32 $5.000000000e-01, v33;
	v38 =	vshll.u32 v2, v62  }
0x47: {  	s30 =	sadd.s32 $0x2, s15;
	v3 =	vsel vm4, v3, v20;
	v21 =	vshll.u32 v2, v21;
	v22 =	vor.u32 v38, v22  }
0x48: {  	v37 =	vor.u32 s30, v0;
	v10 =	vxor.u32 $0xFFFFFFFF, v39;
	v21 =	vor.u32 v21, v22  }
0x49: {  	v40 =	vmax.u32 v17, v10;
	v42 =	vmax.u32 v18, v10;
	v44 =	vmax.u32 v15, v10  }
0x4a: {  	v48 =	vmax.u32 v12, v10;
	v51 =	vmax.u32 v11, v10;
	v55 =	vmax.u32 v9, v10  }
0x4b: {  	v60 =	vmax.u32 v8, v10;
	v63 =	vmax.u32 v5, v10;
	v38 =	vmax.u32 v7, v10  }
0x4c: {  	v39 =	vmax.u32 v6, v10;
	v22 =	vand.u32 $0x8000, v21;
	v20 =	vand.u32 $0x4000, v21  }
0x4d: {  	v41 =	vand.u32 $0x2000, v21;
	v43 =	vand.u32 $0x400, v21;
	v45 =	vand.u32 $0x200, v21  }
0x4e: {  	v46 =	vand.u32 $0x100, v21;
	v49 =	vand.u32 $0x80, v21;
	v52 =	vand.u32 $0x40, v21  }
0x4f: {  	v56 =	vand.u32 $0x20, v21;
	vm6 =	veq.s32 v20, $0x0;
	v20 =	vmax.u32 v16, v10  }
0x50: {  	v61 =	vand.u32 $0x10, v21;
	v16 =	vsel vm6, v16, v20;
	v20 =	vand.u32 $0x1000, v21  }
0x51: {  	v36 =	vand.u32 $0x8, v21;
	vm8 =	veq.s32 v20, $0x0;
	v20 =	vmax.u32 v14, v10  }
0x52: {  	v32 =	vand.u32 $0x4, v21;
	v14 =	vsel vm8, v14, v20;
	v20 =	vand.u32 $0x800, v21  }
0x53: {  	vm5 =	veq.s32 v22, $0x0;
	vm9 =	veq.s32 v20, $0x0;
	v20 =	vmax.u32 v19, v10  }
0x54: {  	vm11 =	veq.s32 v45, $0x0;
	v19 =	vsel vm9, v19, v20;
	v20 =	vmax.u32 v13, v10  }
0x55: {  	vm7 =	veq.s32 v41, $0x0;
	v13 =	vsel vm11, v13, v20;
	v20 =	vshll.u32 v47, $0x7  }
0x56: {  	vm10 =	veq.s32 v43, $0x0;
	vm12 =	veq.s32 v46, $0x0;
	v20 =	vor.u32 v1, v20  }
0x57: {  	vm13 =	veq.s32 v49, $0x0;
	vm14 =	veq.s32 v52, $0x0;
	v50 =	vor.u32 $0x1, v20  }
0x58: {  	vm15 =	veq.s32 v56, $0x0;
	vm4 =	veq.s32 v61, $0x0;
	v53 =	vor.u32 $0x2, v20  }
0x59: {  	v45 =	vmax.u32 v4, v10;
	v17 =	vsel vm5, v17, v40;
	v54 =	vor.u32 $0x3, v20  }
0x5a: {  	v43 =	vld.idx.msk [tilespmem:v37+s7+$0x0], $0xffff;
	v18 =	vsel vm7, v18, v42;
	v15 =	vsel vm10, v15, v44;
	v57 =	vor.u32 $0x4, v20  }
0x5b: {  	v12 =	vsel vm12, v12, v48;
	v11 =	vsel vm13, v11, v51;
	v59 =	vor.u32 $0x5, v20;
	v58 =	vld.idx.msk [tilespmem:v20+s2+$0x0], $0xffff  }
0x5c: {  	v9 =	vsel vm14, v9, v55;
	v8 =	vsel vm15, v8, v60;
	v62 =	vor.u32 $0x6, v20;
	v22 =	vld.idx.msk [tilespmem:v50+s2+$0x0], $0xffff  }
0x5d: {  	vm5 =	veq.s32 v36, $0x0;
	v5 =	vsel vm4, v5, v63;
	v20 =	vor.u32 $0x7, v20;
	v25 =	vld.idx.msk [tilespmem:v53+s2+$0x0], $0xffff  }
0x5e: {  	vm6 =	veq.s32 v32, $0x0;
	v42 =	vand.u32 $0x2, v21;
	v7 =	vsel vm5, v7, v38;
	v23 =	vld.idx.msk [tilespmem:v54+s2+$0x0], $0xffff  }
0x5f: {  	v6 =	vsel vm6, v6, v39;
	vm7 =	veq.s32 v42, $0x0;
	v21 =	vand.u32 $0x1, v21;
	v27 =	vld.idx.msk [tilespmem:v57+s2+$0x0], $0xffff  }
0x60: {  	v4 =	vsel vm7, v4, v45;
	vm8 =	veq.s32 v21, $0x0;
	v10 =	vmax.u32 v3, v10;
	v26 =	vld.idx.msk [tilespmem:v59+s2+$0x0], $0xffff  }
0x61: {  	s15 =	sadd.s32 $0x3, s15;
	v49 =	vmul.f32 $5.000000000e-01, v43;
	v40 =	vld.idx.msk [tilespmem:v62+s2+$0x0], $0xffff;
	v24 =	vshll.u32 v2, v58;
	v22 =	vshll.u32 v2, v22  }
0x62: {  	v43 =	vor.u32 s15, v0;
	v20 =	vld.idx.msk [tilespmem:v20+s2+$0x0], $0xffff;
	v41 =	vshll.u32 v2, v25;
	v22 =	vor.u32 v24, v22  }
0x63: {  	v3 =	vsel vm8, v3, v10;
	v23 =	vshll.u32 v2, v23;
	v22 =	vor.u32 v41, v22  }
0x64: {  	v21 =	vxor.u32 $0xFFFFFFFF, v49;
	v44 =	vshll.u32 v2, v27;
	v22 =	vor.u32 v23, v22  }
0x65: {  	v52 =	vmax.u32 v14, v21;
	v46 =	vshll.u32 v2, v26;
	v22 =	vor.u32 v44, v22  }
0x66: {  	v56 =	vmax.u32 v12, v21;
	v47 =	vshll.u32 v2, v40;
	v22 =	vor.u32 v46, v22  }
0x67: {  	v60 =	vmax.u32 v11, v21;
	v20 =	vshll.u32 v2, v20;
	v48 =	vor.u32 v47, v22  }
0x68: {  	v35 =	vmax.u32 v9, v21;
	v45 =	vmax.u32 v7, v21;
	v20 =	vor.u32 v20, v48  }
0x69: {  	v50 =	vmax.u32 v17, v21;
	v54 =	vmax.u32 v13, v21;
	v10 =	vand.u32 $0x8000, v20  }
0x6a: {  	v40 =	vmax.u32 v8, v21;
	vm9 =	veq.s32 v10, $0x0;
	v10 =	vand.u32 $0x4000, v20  }
0x6b: {  	v44 =	vmax.u32 v5, v21;
	vm10 =	veq.s32 v10, $0x0;
	v10 =	vmax.u32 v16, v21  }
0x6c: {  	v51 =	vand.u32 $0x1000, v20;
	v10 =	vsel vm10, v16, v10;
	v16 =	vand.u32 $0x2000, v20  }
0x6d: {  	v53 =	vand.u32 $0x200, v20;
	vm11 =	veq.s32 v16, $0x0;
	v16 =	vmax.u32 v18, v21  }
0x6e: {  	v55 =	vand.u32 $0x100, v20;
	v18 =	vsel vm11, v18, v16;
	v16 =	vand.u32 $0x800, v20  }
0x6f: {  	v57 =	vand.u32 $0x80, v20;
	vm13 =	veq.s32 v16, $0x0;
	v16 =	vmax.u32 v19, v21  }
0x70: {  	v61 =	vand.u32 $0x40, v20;
	v19 =	vsel vm13, v19, v16;
	v16 =	vand.u32 $0x400, v20  }
0x71: {  	s31 =	sadd.s32 $0x3, s14;
	v36 =	vand.u32 $0x20, v20;
	vm14 =	veq.s32 v16, $0x0;
	v16 =	vmax.u32 v15, v21  }
0x72: {  	v41 =	vand.u32 $0x10, v20;
	v15 =	vsel vm14, v15, v16;
	v16 =	vmov s31  }
0x73: {  	v49 =	vld.idx.msk [tilespmem:v43+s7+$0x0], $0xffff;
	v42 =	vand.u32 $0x8, v20;
	v47 =	vand.u32 $0x4, v20;
	v16 =	vshll.u32 v16, $0x7  }
0x74: {  	v48 =	vand.u32 $0x2, v20;
	vm12 =	veq.s32 v51, $0x0;
	v16 =	vor.u32 v1, v16  }
0x75: {  	vm15 =	veq.s32 v53, $0x0;
	vm4 =	veq.s32 v55, $0x0;
	v58 =	vor.u32 $0x1, v16  }
0x76: {  	vm5 =	veq.s32 v57, $0x0;
	vm6 =	veq.s32 v61, $0x0;
	v59 =	vor.u32 $0x2, v16  }
0x77: {  	vm7 =	veq.s32 v36, $0x0;
	vm8 =	veq.s32 v41, $0x0;
	v62 =	vor.u32 $0x3, v16  }
0x78: {  	vm2 =	veq.s32 v42, $0x0;
	v53 =	vmul.f32 $5.000000000e-01, v49;
	v63 =	vor.u32 $0x4, v16  }
0x79: {  	v17 =	vsel vm9, v17, v50;
	v14 =	vsel vm12, v14, v52;
	v38 =	vor.u32 $0x5, v16;
	v37 =	vld.idx.msk [tilespmem:v16+s2+$0x0], $0xffff  }
0x7a: {  	v13 =	vsel vm15, v13, v54;
	v12 =	vsel vm4, v12, v56;
	v39 =	vor.u32 $0x6, v16;
	v24 =	vld.idx.msk [tilespmem:v58+s2+$0x0], $0xffff  }
0x7b: {  	v11 =	vsel vm5, v11, v60;
	v9 =	vsel vm6, v9, v35;
	v16 =	vor.u32 $0x7, v16;
	v22 =	vld.idx.msk [tilespmem:v59+s2+$0x0], $0xffff  }
0x7c: {  	v8 =	vsel vm7, v8, v40;
	v5 =	vsel vm8, v5, v44;
	vm9 =	veq.s32 v47, $0x0;
	v26 =	vld.idx.msk [tilespmem:v62+s2+$0x0], $0xffff  }
0x7d: {  	v50 =	vmax.u32 v6, v21;
	v52 =	vmax.u32 v4, v21;
	vm10 =	veq.s32 v48, $0x0;
	v23 =	vld.idx.msk [tilespmem:v63+s2+$0x0], $0xffff  }
0x7e: {  	v7 =	vsel vm2, v7, v45;
	v6 =	vsel vm9, v6, v50;
	v4 =	vsel vm10, v4, v52;
	v46 =	vld.idx.msk [tilespmem:v38+s2+$0x0], $0xffff  }
0x7f: {  	v20 =	vand.u32 $0x1, v20;
	v25 =	vld.idx.msk [tilespmem:v39+s2+$0x0], $0xffff;
	v28 =	vshll.u32 v2, v37;
	v24 =	vshll.u32 v2, v24  }
0x80: {  	vm11 =	veq.s32 v20, $0x0;
	v16 =	vld.idx.msk [tilespmem:v16+s2+$0x0], $0xffff;
	v22 =	vshll.u32 v2, v22;
	v24 =	vor.u32 v28, v24  }
0x81: {  	v20 =	vmax.u32 v3, v21;
	v26 =	vshll.u32 v2, v26;
	v22 =	vor.u32 v22, v24  }
0x82: {  	v3 =	vsel vm11, v3, v20;
	v23 =	vshll.u32 v2, v23;
	v22 =	vor.u32 v26, v22  }
0x83: {  	v20 =	vxor.u32 $0xFFFFFFFF, v53;
	v51 =	vshll.u32 v2, v46;
	v22 =	vor.u32 v23, v22  }
0x84: {  	v55 =	vmax.u32 v10, v20;
	v25 =	vshll.u32 v2, v25;
	v22 =	vor.u32 v51, v22  }
0x85: {  	v57 =	vmax.u32 v19, v20;
	v16 =	vshll.u32 v2, v16;
	v22 =	vor.u32 v25, v22  }
0x86: {  	v61 =	vmax.u32 v8, v20;
	v59 =	vmax.u32 v12, v20;
	v54 =	vor.u32 v16, v22  }
0x87: {  	v63 =	vmax.u32 v4, v20;
	v23 =	vmax.u32 v18, v20;
	v16 =	vand.u32 $0x8000, v54  }
0x88: {  	v22 =	vand.u32 $0x4000, v54;
	vm12 =	veq.s32 v16, $0x0;
	v16 =	vmax.u32 v17, v20  }
0x89: {  	vm13 =	veq.s32 v22, $0x0;
	v17 =	vsel vm12, v17, v16;
	v16 =	vand.u32 $0x2000, v54  }
0x8a: {  	vm14 =	veq.s32 v16, $0x0;
	v16 =	vsel vm13, v10, v55;
	v10 =	vand.u32 $0x1000, v54  }
0x8b: {  	v56 =	vand.u32 $0x800, v54;
	vm15 =	veq.s32 v10, $0x0;
	v10 =	vmax.u32 v14, v20  }
0x8c: {  	v58 =	vand.u32 $0x100, v54;
	v14 =	vsel vm15, v14, v10;
	v10 =	vand.u32 $0x400, v54  }
0x8d: {  	v60 =	vand.u32 $0x20, v54;
	vm5 =	veq.s32 v10, $0x0;
	v10 =	vmax.u32 v15, v20  }
0x8e: {  	v62 =	vand.u32 $0x4, v54;
	v15 =	vsel vm5, v15, v10;
	v10 =	vand.u32 $0x200, v54  }
0x8f: {  	v21 =	vand.u32 $0x1, v54;
	vm6 =	veq.s32 v10, $0x0;
	v10 =	vmax.u32 v13, v20  }
0x90: {  	vm4 =	veq.s32 v56, $0x0;
	v13 =	vsel vm6, v13, v10;
	v10 =	vand.u32 $0x80, v54  }
0x91: {  	vm7 =	veq.s32 v58, $0x0;
	vm8 =	veq.s32 v10, $0x0;
	v10 =	vmax.u32 v11, v20  }
0x92: {  	vm10 =	veq.s32 v60, $0x0;
	v11 =	vsel vm8, v11, v10;
	v10 =	vand.u32 $0x40, v54  }
0x93: {  	v19 =	vsel vm4, v19, v57;
	vm9 =	veq.s32 v10, $0x0;
	v10 =	vmax.u32 v9, v20  }
0x94: {  	v12 =	vsel vm7, v12, v59;
	v9 =	vsel vm9, v9, v10;
	v10 =	vand.u32 $0x10, v54  }
0x95: {  	p0 =	slt.u32 s14, $0x1C;
	v8 =	vsel vm10, v8, v61;
	vm11 =	veq.s32 v10, $0x0;
	v10 =	vmax.u32 v5, v20  }
.Ltmp0:
0x96: {  	vm13 =	veq.s32 v62, $0x0;
	v5 =	vsel vm11, v5, v10;
	v10 =	vand.u32 $0x8, v54;
	(pc) =	sbr.rel @p0 .LBB2_3-.Ltmp0, $4  }
0x97: {  	v18 =	vsel vm14, v18, v23;
	vm12 =	veq.s32 v10, $0x0;
	v10 =	vmax.u32 v7, v20  }
0x98: {  	vm15 =	veq.s32 v21, $0x0;
	v7 =	vsel vm12, v7, v10;
	v10 =	vand.u32 $0x2, v54  }
0x99: {  	vm14 =	veq.s32 v10, $0x0;
	v10 =	vmax.u32 v6, v20;
	v20 =	vmax.u32 v3, v20  }
0x9a: {  	s14 =	sadd.s32 $0x4, s14;
	v6 =	vsel vm13, v6, v10;
	v4 =	vsel vm14, v4, v63;
	v3 =	vsel vm15, v3, v20  }
0x9b: {  	v20 =	vxor.u32 $0xFFFFFFFF, v3  }
0x9c: {  	v21 =	vxor.u32 $0xFFFFFFFF, v4;
	v22 =	vxor.u32 $0xFFFFFFFF, v6;
	v23 =	vxor.u32 $0xFFFFFFFF, v7  }
0x9d: {  	v24 =	vxor.u32 $0xFFFFFFFF, v5;
	v25 =	vxor.u32 $0xFFFFFFFF, v8;
	v10 =	vxor.u32 $0xFFFFFFFF, v9  }
0x9e: {  	v7 =	vxor.u32 $0xFFFFFFFF, v11;
	v38 =	vxor.u32 $0xFFFFFFFF, v12;
	v12 =	vxor.u32 $0xFFFFFFFF, v13  }
0x9f: {  	v9 =	vxor.u32 $0xFFFFFFFF, v15;
	v6 =	vxor.u32 $0xFFFFFFFF, v19;
	v8 =	vxor.u32 $0xFFFFFFFF, v14  }
0xa0: {  	v5 =	vxor.u32 $0xFFFFFFFF, v18;
	v3 =	vxor.u32 $0xFFFFFFFF, v16;
	v4 =	vxor.u32 $0xFFFFFFFF, v17  }
0xa1: {  	v42 =	vor.u32 s13, v0;
	s14 =	sor.u32 $0x1, s13;
	v39 =	vsub.f32 v20, v38;
	v40 =	vsub.f32 v20, v24  }
0xa2: {  	s17 =	sor.u32 $0x2, s13;
	v41 =	vsub.f32 v20, v22;
	v43 =	vsub.f32 v20, v21;
	v44 =	vor.u32 s14, v0  }
0xa3: {  	s18 =	sor.u32 $0x3, s13;
	s19 =	sor.u32 $0x4, s13;
	v45 =	vsub.f32 v21, v12;
	v46 =	vor.u32 s17, v0;
	v26 =	vsub.f32 v21, v25  }
0xa4: {  	s20 =	sor.u32 $0x5, s13;
	v27 =	vor.u32 s18, v0;
	v21 =	vsub.f32 v21, v23;
	v28 =	vor.u32 s19, v0  }
0xa5: {  	s21 =	sor.u32 $0x6, s13;
	s22 =	sor.u32 $0x7, s13;
	v29 =	vsub.f32 v22, v23;
	v30 =	vor.u32 s20, v0;
	v31 =	vsub.f32 v22, v9  }
0xa6: {  	s23 =	sor.u32 $0x8, s13;
	v32 =	vor.u32 s21, v0;
	v22 =	vsub.f32 v22, v10;
	v33 =	vor.u32 s22, v0  }
0xa7: {  	s24 =	sor.u32 $0x9, s13;
	s25 =	sor.u32 $0xA, s13;
	v34 =	vsub.f32 v24, v10;
	v35 =	vor.u32 s23, v0;
	v49 =	vsub.f32 v24, v25  }
0xa8: {  	s26 =	sor.u32 $0xB, s13;
	v50 =	vor.u32 s24, v0;
	v51 =	vsub.f32 v23, v6;
	v52 =	vor.u32 s25, v0  }
0xa9: {  	s28 =	sor.u32 $0xC, s13;
	s29 =	sor.u32 $0xD, s13;
	v54 =	vsub.f32 v23, v7;
	v56 =	vor.u32 s26, v0;
	v58 =	vsub.f32 v25, v7  }
0xaa: {  	s30 =	sor.u32 $0xE, s13;
	v59 =	vor.u32 s28, v0;
	v60 =	vsub.f32 v10, v7;
	v61 =	vor.u32 s29, v0  }
0xab: {  	s16 =	sor.u32 $0x11, s13;
	v24 =	vsub.f32 v24, v8;
	v62 =	vor.u32 s30, v0;
	v63 =	vsub.f32 v38, v8  }
0xac: {  	v11 =	vsub.f32 v38, v12;
	v36 =	vor.u32 s16, v0;
	v13 =	vmax.f32 v39, $-2.000000000e+01  }
0xad: {  	v10 =	vsub.f32 v10, v3;
	v14 =	vmax.f32 v40, $-2.000000000e+01;
	v13 =	vmin.f32 v13, $2.000000000e+01  }
0xae: {  	v7 =	vsub.f32 v7, v4;
	v15 =	vmax.f32 v41, $-2.000000000e+01;
	v14 =	vmin.f32 v14, $2.000000000e+01;
	[tilespmem:v42+s9+$0x0] =	vst.idx.msk $0xffff, v13  }
0xaf: {  	v17 =	vmax.f32 v43, $-2.000000000e+01;
	v19 =	vmax.f32 v45, $-2.000000000e+01;
	v15 =	vmin.f32 v15, $2.000000000e+01;
	[tilespmem:v44+s9+$0x0] =	vst.idx.msk $0xffff, v14  }
0xb0: {  	v26 =	vmax.f32 v26, $-2.000000000e+01;
	v21 =	vmax.f32 v21, $-2.000000000e+01;
	v17 =	vmin.f32 v17, $2.000000000e+01;
	[tilespmem:v46+s9+$0x0] =	vst.idx.msk $0xffff, v15  }
0xb1: {  	v29 =	vmax.f32 v29, $-2.000000000e+01;
	v31 =	vmax.f32 v31, $-2.000000000e+01;
	v19 =	vmin.f32 v19, $2.000000000e+01;
	[tilespmem:v27+s9+$0x0] =	vst.idx.msk $0xffff, v17  }
0xb2: {  	v22 =	vmax.f32 v22, $-2.000000000e+01;
	v48 =	vmax.f32 v34, $-2.000000000e+01;
	v26 =	vmin.f32 v26, $2.000000000e+01;
	[tilespmem:v28+s9+$0x0] =	vst.idx.msk $0xffff, v19  }
0xb3: {  	v53 =	vmax.f32 v49, $-2.000000000e+01;
	v18 =	vmax.f32 v51, $-2.000000000e+01;
	v21 =	vmin.f32 v21, $2.000000000e+01;
	[tilespmem:v30+s9+$0x0] =	vst.idx.msk $0xffff, v26  }
0xb4: {  	s15 =	sor.u32 $0x10, s13;
	v57 =	vmax.f32 v54, $-2.000000000e+01;
	v24 =	vmax.f32 v24, $-2.000000000e+01;
	v29 =	vmin.f32 v29, $2.000000000e+01;
	[tilespmem:v32+s9+$0x0] =	vst.idx.msk $0xffff, v21  }
0xb5: {  	s17 =	sor.u32 $0x12, s13;
	v34 =	vor.u32 s15, v0;
	v11 =	vmax.f32 v11, $-2.000000000e+01;
	v31 =	vmin.f32 v31, $2.000000000e+01;
	[tilespmem:v33+s9+$0x0] =	vst.idx.msk $0xffff, v29  }
0xb6: {  	v39 =	vsub.f32 v25, v5;
	v40 =	vor.u32 s17, v0;
	v47 =	vmin.f32 v22, $2.000000000e+01;
	[tilespmem:v35+s9+$0x0] =	vst.idx.msk $0xffff, v31  }
0xb7: {  	s31 =	sor.u32 $0xF, s13;
	s20 =	sor.u32 $0x15, s13;
	v41 =	vsub.f32 v12, v5;
	v12 =	vsub.f32 v12, v6;
	v16 =	vmin.f32 v48, $2.000000000e+01;
	[tilespmem:v50+s9+$0x0] =	vst.idx.msk $0xffff, v47  }
0xb8: {  	s22 =	sor.u32 $0x17, s13;
	s23 =	sor.u32 $0x18, s13;
	v45 =	vor.u32 s20, v0;
	v55 =	vmin.f32 v53, $2.000000000e+01;
	v31 =	vor.u32 s31, v0;
	[tilespmem:v52+s9+$0x0] =	vst.idx.msk $0xffff, v16  }
0xb9: {  	v49 =	vor.u32 s22, v0;
	v51 =	vor.u32 s23, v0;
	v18 =	vmin.f32 v18, $2.000000000e+01;
	[tilespmem:v56+s9+$0x0] =	vst.idx.msk $0xffff, v55  }
0xba: {  	s25 =	sor.u32 $0x1A, s13;
	v10 =	vmax.f32 v10, $-2.000000000e+01;
	v22 =	vmax.f32 v58, $-2.000000000e+01;
	v19 =	vmin.f32 v57, $2.000000000e+01;
	[tilespmem:v59+s9+$0x0] =	vst.idx.msk $0xffff, v18  }
0xbb: {  	s18 =	sor.u32 $0x13, s13;
	v54 =	vor.u32 s25, v0;
	v22 =	vmin.f32 v22, $2.000000000e+01;
	v26 =	vmax.f32 v60, $-2.000000000e+01;
	[tilespmem:v61+s9+$0x0] =	vst.idx.msk $0xffff, v19  }
0xbc: {  	s19 =	sor.u32 $0x14, s13;
	v42 =	vor.u32 s18, v0;
	v26 =	vmin.f32 v26, $2.000000000e+01;
	v33 =	vsub.f32 v38, v9;
	[tilespmem:v62+s9+$0x0] =	vst.idx.msk $0xffff, v22  }
0xbd: {  	v44 =	vor.u32 s19, v0;
	v32 =	vmin.f32 v24, $2.000000000e+01;
	v35 =	vmax.f32 v63, $-2.000000000e+01;
	[tilespmem:v31+s9+$0x0] =	vst.idx.msk $0xffff, v26  }
0xbe: {  	s21 =	sor.u32 $0x16, s13;
	v7 =	vmax.f32 v7, $-2.000000000e+01;
	v37 =	vmax.f32 v33, $-2.000000000e+01;
	v16 =	vmin.f32 v35, $2.000000000e+01;
	[tilespmem:v34+s9+$0x0] =	vst.idx.msk $0xffff, v32  }
0xbf: {  	v11 =	vmin.f32 v11, $2.000000000e+01;
	v48 =	vor.u32 s21, v0;
	v38 =	vmin.f32 v37, $2.000000000e+01;
	[tilespmem:v36+s9+$0x0] =	vst.idx.msk $0xffff, v16  }
0xc0: {  	v53 =	vsub.f32 v8, v3;
	v8 =	vsub.f32 v8, v5;
	v20 =	vmax.f32 v39, $-2.000000000e+01;
	[tilespmem:v40+s9+$0x0] =	vst.idx.msk $0xffff, v38  }
0xc1: {  	s24 =	sor.u32 $0x19, s13;
	v43 =	vmin.f32 v20, $2.000000000e+01;
	v46 =	vsub.f32 v9, v6;
	v21 =	vmax.f32 v41, $-2.000000000e+01;
	[tilespmem:v42+s9+$0x0] =	vst.idx.msk $0xffff, v11  }
0xc2: {  	v12 =	vmax.f32 v12, $-2.000000000e+01;
	v47 =	vmin.f32 v21, $2.000000000e+01;
	v52 =	vor.u32 s24, v0;
	[tilespmem:v44+s9+$0x0] =	vst.idx.msk $0xffff, v43  }
0xc3: {  	s26 =	sor.u32 $0x1B, s13;
	v12 =	vmin.f32 v12, $2.000000000e+01;
	v15 =	vmax.f32 v46, $-2.000000000e+01;
	v9 =	vsub.f32 v9, v3;
	[tilespmem:v45+s9+$0x0] =	vst.idx.msk $0xffff, v47  }
0xc4: {  	s28 =	sor.u32 $0x1C, s13;
	v10 =	vmin.f32 v10, $2.000000000e+01;
	v50 =	vmin.f32 v15, $2.000000000e+01;
	v56 =	vor.u32 s26, v0;
	[tilespmem:v48+s9+$0x0] =	vst.idx.msk $0xffff, v12  }
0xc5: {  	s29 =	sor.u32 $0x1D, s13;
	v58 =	vor.u32 s28, v0;
	v8 =	vmax.f32 v8, $-2.000000000e+01;
	v9 =	vmax.f32 v9, $-2.000000000e+01;
	[tilespmem:v49+s9+$0x0] =	vst.idx.msk $0xffff, v50  }
0xc6: {  	s30 =	sor.u32 $0x1E, s13;
	v9 =	vmin.f32 v9, $2.000000000e+01;
	v55 =	vmax.f32 v53, $-2.000000000e+01;
	v59 =	vor.u32 s29, v0;
	[tilespmem:v51+s9+$0x0] =	vst.idx.msk $0xffff, v10  }
0xc7: {  	s12 =	sadd.s32 $0x1, s12;
	v6 =	vsub.f32 v6, v4;
	v60 =	vor.u32 s30, v0;
	s31 =	sor.u32 $0x1F, s13;
	v57 =	vmin.f32 v55, $2.000000000e+01;
	[tilespmem:v52+s9+$0x0] =	vst.idx.msk $0xffff, v9  }
0xc8: {  	p0 =	sne.s32 s12, $0x10;
	v5 =	vsub.f32 v5, v4;
	v8 =	vmin.f32 v8, $2.000000000e+01;
	v61 =	vor.u32 s31, v0;
	[tilespmem:v54+s9+$0x0] =	vst.idx.msk $0xffff, v57  }
.Ltmp1:
0xc9: {  	v7 =	vmin.f32 v7, $2.000000000e+01;
	v6 =	vmax.f32 v6, $-2.000000000e+01;
	v3 =	vsub.f32 v3, v4;
	[tilespmem:v56+s9+$0x0] =	vst.idx.msk $0xffff, v8;
	(pc) =	sbr.rel @p0 .LBB2_2-.Ltmp1, $4  }
0xca: {  	v5 =	vmax.f32 v5, $-2.000000000e+01;
	v62 =	vmin.f32 v6, $2.000000000e+01;
	[tilespmem:v58+s9+$0x0] =	vst.idx.msk $0xffff, v7  }
0xcb: {  	v63 =	vmin.f32 v5, $2.000000000e+01;
	v3 =	vmax.f32 v3, $-2.000000000e+01;
	[tilespmem:v59+s9+$0x0] =	vst.idx.msk $0xffff, v62  }
0xcc: {  	v3 =	vmin.f32 v3, $2.000000000e+01;
	[tilespmem:v60+s9+$0x0] =	vst.idx.msk $0xffff, v63  }
0xcd: {  	s11 =	sadd.s32 $0x200, s11;
	[tilespmem:v61+s9+$0x0] =	vst.idx.msk $0xffff, v3  }
0xce: {  	s10 =	sadd.s32 $0x1, s10  }
0xcf: {  	p0 =	sne.s32 s10, s6  }
.Ltmp2:
0xd0: {  	_ = 	snop;
	(pc) =	sbr.rel @p0 .LBB2_1-.Ltmp2, $4  }
0xd1: {  	[hbm4b:s5+s2] =	stream.linear.scatter [tilespmem:s9], [sflag:$0x1], $0x2000, $0x38;
	[tilespmem:$0x14000] =	vst v63  }
0xd2: {  	_ =	swait.ge [sflag:s8], $0x2000  }
0xd3: {  	[sflag:s8] =	ssyncset.done $0x0  }
0xd4: {  	[sflag:s8] =	ssyncadd.s32 $0xFFFFE000  }
0xd5: {  	_ =	sfence.sel $0x180000  }
0xd6: {  	[bflag:$0x0] =	sbarrier.arrive $0xFFFF  }
0xd7: {  	p0 =	sne.s32 s1, $0x0;
	_ =	strace $0x90000047  }
0xd8: {  	s0 =	sadd.s32 @!p0 $0x100000, s0;
	[bflag:$0x2] =	sbarrier.arrive $0xFFFF  }
0xd9: {  	[sflag:s0] =	ssyncadd.tile.s32 @!p0 $0x1;
	_ =	shalt  }
.Lfunc_end2:
_tile_overlayer_lowered:
.L_overlay_start_2:
0xda: {  	(tag) =	ssettag $0x2  }
0xdb: {  	s0 =	rddreg [dreg:$0x0];
	s2 =	stileid.u32  }
0xdc: {  	s1 =	rddreg [dreg:$0x1];
	p0 =	sne.s32 s2, $0x0  }
0xdd: {  	s3 =	rddreg [dreg:$0x2];
	[bflag:$0x3] =	sbarrier.arrive $0xFFFF;
	s2 =	simm.s32 @!p0 $0x1C01  }
0xde: {  	[timem:s3], [sflag:s2] =	dma.local @!p0 [hbm:s0], s1  }
0xdf: {  	s0 =	simm.s32 @!p0 $0x1  }
0xe0: {  	_ =	swait.ge @!p0 [sflag:s0], s1  }
0xe1: {  	s1 =	ssub.s32 @!p0 $0x0, s1;
	[sflag:s0] =	ssyncset.done @!p0 $0x0  }
0xe2: {  	[sflag:s0] =	ssyncadd.s32 @!p0 s1  }
0xe3: {  	[bflag:$0x3] =	sbarrier.arrive $0xFFFF  }
0xe4: {  	_ =	shalt  }

</sc_bundles>
